<compile_context>
chip_gen: v7x
topology: tpu7x:2x2x1
jax: 0.10.2.dev20260603
libtpu: 0.0.44.dev20260713+nightly
codegen_flags: <defaults>
</compile_context>

<pallas_src>
import functools

import jax
import jax.numpy as jnp
from jax import lax
from jax.experimental import pallas as pl
from jax.experimental.pallas import tpu as pltpu
from jax.experimental.pallas import tpu_sc as plsc

G = 8
C = 128
K = 4096
NBLK = 256


def _round_body(refs, *, has_quant):
    i = 0
    x_ref = refs[i]; i += 1
    ps_ref = refs[i]; i += 1
    cb_ref = refs[i]; i += 1
    cbsq_ref = refs[i]; i += 1
    quant_ref = prev_ref = None
    if has_quant:
        quant_ref = refs[i]; i += 1
        prev_ref = refs[i]; i += 1
    idx_ref = refs[i]; i += 1

    ts = x_ref[...] / ps_ref[...]

    cols = []
    for g in range(G):
        tg = ts[:, g * C:(g + 1) * C]
        if quant_ref is not None:
            tg = tg + 2.0 * quant_ref[g]
        cb = cb_ref[0, g]
        dot = lax.dot_general(tg, cb, (((1,), (1,)), ((), ())),
                              preferred_element_type=jnp.float32)
        score = dot + cbsq_ref[0, g]
        idxg = jnp.argmin(score, axis=1).astype(jnp.int32)
        cols.append(idxg.reshape(NBLK, 1))
    mine = jnp.concatenate(cols, axis=1).T
    if prev_ref is None:
        idx_ref[...] = mine
    else:
        both = jnp.stack([prev_ref[...], mine], axis=0)
        idx_ref[...] = both.astype(jnp.uint16)


def _round_call(xp, ps, cb, cbsq, r, quant, prev=None):
    n = xp.shape[0]
    first = quant is None
    grid = (n // NBLK,)
    in_specs = [
        pl.BlockSpec((NBLK, G * C), lambda i: (i, 0)),
        pl.BlockSpec((NBLK, 1), lambda i: (i, 0)),
        pl.BlockSpec((1, G, K, C), lambda i: (r, 0, 0, 0)),
        pl.BlockSpec((1, G, 1, K), lambda i: (r, 0, 0, 0)),
    ]
    args = [xp, ps, cb, cbsq]
    if not first:
        in_specs.append(pl.BlockSpec((G, NBLK, C), lambda i: (0, i, 0)))
        args.append(quant)
        in_specs.append(pl.BlockSpec((G, NBLK), lambda i: (0, i)))
        args.append(prev)
        out_specs = pl.BlockSpec((2, G, NBLK), lambda i: (0, 0, i))
        out_shape = jax.ShapeDtypeStruct((2, G, n), jnp.uint16)
    else:
        out_specs = pl.BlockSpec((G, NBLK), lambda i: (0, i))
        out_shape = jax.ShapeDtypeStruct((G, n), jnp.int32)
    body = lambda *refs: _round_body(refs, has_quant=not first)
    return pl.pallas_call(
        body,
        grid=grid,
        in_specs=in_specs,
        out_specs=out_specs,
        out_shape=out_shape,
        compiler_params=pltpu.CompilerParams(
            dimension_semantics=("arbitrary",)),
    )(*args)


def _gather_rows(table, idx_chunks, nw, b_per_w):
    nch = b_per_w // 128
    mesh = plsc.VectorSubcoreMesh(core_axis_name="c", subcore_axis_name="s")
    nc = mesh.num_cores
    w_per_g = nw // G

    @functools.partial(
        pl.kernel,
        out_type=jax.ShapeDtypeStruct((nw * b_per_w, C), jnp.float32),
        mesh=mesh,
        scratch_types=[
            pltpu.VMEM((nch, 128), jnp.int32),
            pltpu.VMEM((b_per_w, C), jnp.float32),
            pltpu.SemaphoreType.DMA,
        ],
    )
    def k(table_hbm, idx_hbm, out_hbm, idx_v, rows_v, sem):
        wid = lax.axis_index("s") * nc + lax.axis_index("c")
        g = wid // w_per_g
        base = (wid % w_per_g) * b_per_w
        for j in range(nch):
            pltpu.sync_copy(idx_hbm.at[g, pl.ds(base + j * 128, 128)],
                            idx_v.at[j])
        descs = []
        for j in range(nch):
            descs.append(pltpu.async_copy(
                table_hbm.at[idx_v.at[j]],
                rows_v.at[pl.ds(j * 128, 128)], sem))
        for d in descs:
            d.wait()
        pltpu.sync_copy(rows_v, out_hbm.at[pl.ds(wid * b_per_w, b_per_w)])

    return k(table, idx_chunks)


def kernel(x, codebook):
    b, s, d = x.shape
    n = b * s
    xp = x.reshape(b, s, G, 2, 64).swapaxes(3, 4).reshape(n, G * C)
    ps = jnp.linalg.norm(xp, axis=-1, keepdims=True)
    psm = ps * -0.5
    cbsq = jnp.sum(codebook * codebook, axis=-1)
    cbsq = cbsq.reshape(codebook.shape[0], G, 1, K)

    idx1 = _round_call(xp, psm, codebook, cbsq, 0, None)

    flat = idx1 + (jnp.arange(G, dtype=jnp.int32) * K)[:, None]
    info = plsc.get_sparse_core_info()
    nw = info.num_cores * info.num_subcores
    b_per_w = (n * G) // nw
    quant = _gather_rows(codebook.reshape(-1, C), flat, nw, b_per_w)

    codes = _round_call(xp, psm, codebook, cbsq, 1, quant.reshape(G, n, C),
                        prev=idx1)
    prescale = ps.reshape(b, s, 1)
    return codes, prescale

# --- scband reference (transcript-rebuilt; emitter-appended) ---
"""Pipeline reference for scband-key-compressor-33071248179491 (READ-ONLY COPY).

The authoritative reference and input builder live on the scoring server;
editing this copy changes nothing except your own understanding.
"""

import jax, jax.numpy as jnp
import numpy as np

NUM_KV_HEADS = 8


def _encode(x, codebook):
    b, s, _ = x.shape
    x = x.reshape(b, s, NUM_KV_HEADS, 2, 64)
    x = jnp.swapaxes(x, 3, 4).reshape(b, s, -1)
    prescale = jnp.linalg.norm(x, axis=-1, keepdims=True)
    x = x / prescale
    R, G, K, C = codebook.shape
    t = x.reshape(b * s, G, C)
    N = t.shape[0]
    codes = []
    for r in range(R):
        cb = codebook[r]  # [G, K, C]
        tp = jnp.transpose(t, (1, 0, 2))  # [G, N, C]
        d2 = (jnp.sum(tp * tp, axis=-1, keepdims=True)
              - 2.0 * jnp.einsum('gnc,gkc->gnk', tp, cb)
              + jnp.sum(cb * cb, axis=-1)[:, None, :])
        dist = jnp.sqrt(jnp.clip(d2, 0.0, None))  # torch.cdist
        hard = jnp.argmin(dist, axis=-1)  # [G, N]
        idx = jnp.broadcast_to(hard[:, :, None], (G, N, C))
        quant = jnp.take_along_axis(cb, idx, axis=1)  # [G, N, C]
        t = t - jnp.transpose(quant, (1, 0, 2))
        codes.append(hard.astype(jnp.uint16))
    code_tensor = jnp.stack(codes, axis=0)  # [R, G, N]
    return code_tensor, prescale


def setup_inputs(seed: int = 0):
    key = jax.random.key(seed)
    k1, k2 = jax.random.split(key)
    x = jax.random.normal(k1, (1, 2048, 1024), dtype=jnp.float32)
    codebook = jax.random.normal(k2, (2, 8, 4096, 128), dtype=jnp.float32) * 0.02
    return {"x": x, "codebook": codebook}


def reference(x, codebook):
    return _encode(x, codebook)

if __name__ == "__main__":
    import jax
    _d = setup_inputs()
    print(jax.jit(kernel)(*tuple(_d.values())))

</pallas_src>

<mosaic_0001>
#map = affine_map<(d0, d1) -> (0, 0)>
module attributes {stable_mosaic.version = 14 : i64} {
  func.func @k(%arg0: i32, %arg1: i32, %arg2: memref<65536x128xf32, #tpu.memory_space<hbm>>, %arg3: memref<8x2048xi32, #tpu.memory_space<hbm>>, %arg4: memref<16384x128xf32, #tpu.memory_space<hbm>>, %arg5: memref<4x128xi32, #tpu.memory_space<vmem>>, %arg6: memref<512x128xf32, #tpu.memory_space<vmem>>, %arg7: memref<!tpu.dma_semaphore, #tpu.memory_space<semaphore_mem>>) attributes {dimension_semantics = [#tpu.dimension_semantics<core_parallel>, #tpu.dimension_semantics<subcore_parallel>], iteration_bounds = array<i64: 2, 16>, scalar_prefetch = 0 : i64, scratch_operands = 3 : i64, tpu.core_type = #tpu.core_type<sc_vector_subcore>, window_params = [{transform_indices = #map}, {transform_indices = #map}, {transform_indices = #map}]} {
    %mul3A = arith.constant 2 : i32
    %mul3A_0 = arith.muli %arg1, %mul3A : i32
    %add3A = arith.addi %mul3A_0, %arg0 : i32
    %jit3A = arith.constant 4 : i32
    %div3A = arith.divsi %add3A, %jit3A : i32
    %sign3A = arith.constant 0 : i32
    %sign3A_1 = arith.cmpi sgt, %add3A, %sign3A : i32
    %sign3A_2 = arith.extui %sign3A_1 : i1 to i32
    %sign3A_3 = arith.constant 0 : i32
    %sign3A_4 = arith.cmpi slt, %add3A, %sign3A_3 : i32
    %sign3A_5 = arith.extui %sign3A_4 : i1 to i32
    %sign3A_6 = arith.subi %sign3A_2, %sign3A_5 : i32
    %sign3A_7 = arith.constant 0 : i32
    %sign3A_8 = arith.cmpi sgt, %jit3A, %sign3A_7 : i32
    %sign3A_9 = arith.extui %sign3A_8 : i1 to i32
    %sign3A_10 = arith.constant 0 : i32
    %sign3A_11 = arith.cmpi slt, %jit3A, %sign3A_10 : i32
    %sign3A_12 = arith.extui %sign3A_11 : i1 to i32
    %sign3A_13 = arith.subi %sign3A_9, %sign3A_12 : i32
    %ne3A = arith.cmpi ne, %sign3A_6, %sign3A_13 : i32
    %rem3A = arith.remsi %add3A, %jit3A : i32
    %ne3A_14 = arith.constant 0 : i32
    %ne3A_15 = arith.cmpi ne, %rem3A, %ne3A_14 : i32
    %and3A = arith.andi %ne3A, %ne3A_15 : i1
    %sub3A = arith.constant 1 : i32
    %sub3A_16 = arith.subi %div3A, %sub3A : i32
    %select_n3A = arith.select %and3A, %sub3A_16, %div3A : i32
    %jit3A_17 = arith.constant 4 : i32
    %eq3A = arith.constant 0 : i32
    %eq3A_18 = arith.cmpi eq, %jit3A_17, %eq3A : i32
    %jit3A_19 = arith.constant 1 : i32
    %select_n3A_20 = arith.select %eq3A_18, %jit3A_19, %jit3A_17 : i32
    %rem3A_21 = arith.remsi %add3A, %select_n3A_20 : i32
    %ne3A_22 = arith.constant 0 : i32
    %ne3A_23 = arith.cmpi ne, %rem3A_21, %ne3A_22 : i32
    %lt3A = arith.constant 0 : i32
    %lt3A_24 = arith.cmpi slt, %rem3A_21, %lt3A : i32
    %lt3A_25 = arith.constant 0 : i32
    %lt3A_26 = arith.cmpi slt, %select_n3A_20, %lt3A_25 : i32
    %ne3A_27 = arith.xori %lt3A_24, %lt3A_26 : i1
    %and3A_28 = arith.andi %ne3A_27, %ne3A_23 : i1
    %add3A_29 = arith.addi %rem3A_21, %select_n3A_20 : i32
    %select_n3A_30 = arith.select %and3A_28, %add3A_29, %rem3A_21 : i32
    %mul3A_31 = arith.constant 512 : i32
    %mul3A_32 = arith.muli %select_n3A_30, %mul3A_31 : i32
    %add3A_33 = arith.constant 0 : i32
    %add3A_34 = arith.addi %mul3A_32, %add3A_33 : i32
    %run_scoped3A = arith.constant 0 : i32
    "tpu.region"() ({
      %run_scoped3A_124 = tpu.sem_alloc : memref<!tpu.dma_semaphore, #tpu.memory_space<semaphore_mem>>
      %dma_start3A_125 = arith.constant 0 : i32
      %dma_start3A_126 = tpu.memref_slice %arg5[%run_scoped3A, %dma_start3A_125] : memref<4x128xi32, #tpu.memory_space<vmem>> -> memref<1x128xi32, #tpu.memory_space<vmem>>
      %dma_start3A_127 = tpu.memref_squeeze %dma_start3A_126 : memref<1x128xi32, #tpu.memory_space<vmem>> -> memref<128xi32, #tpu.memory_space<vmem>>
      %dma_start3A_128 = tpu.memref_slice %arg3[%select_n3A, %add3A_34] : memref<8x2048xi32, #tpu.memory_space<hbm>> -> memref<1x128xi32, #tpu.memory_space<hbm>>
      %dma_start3A_129 = tpu.memref_squeeze %dma_start3A_128 : memref<1x128xi32, #tpu.memory_space<hbm>> -> memref<128xi32, #tpu.memory_space<hbm>>
      %dma_start3A_130 = arith.constant 0 : i32
      %dma_start3A_131 = tpu.memref_slice %arg5[%run_scoped3A, %dma_start3A_130] : memref<4x128xi32, #tpu.memory_space<vmem>> -> memref<1x128xi32, #tpu.memory_space<vmem>>
      %dma_start3A_132 = tpu.memref_squeeze %dma_start3A_131 : memref<1x128xi32, #tpu.memory_space<vmem>> -> memref<128xi32, #tpu.memory_space<vmem>>
      %dma_start3A_133 = tpu.memref_slice %arg3[%select_n3A, %add3A_34] : memref<8x2048xi32, #tpu.memory_space<hbm>> -> memref<1x128xi32, #tpu.memory_space<hbm>>
      %dma_start3A_134 = tpu.memref_squeeze %dma_start3A_133 : memref<1x128xi32, #tpu.memory_space<hbm>> -> memref<128xi32, #tpu.memory_space<hbm>>
      tpu.enqueue_dma source(%dma_start3A_134 : memref<128xi32, #tpu.memory_space<hbm>>) target(%dma_start3A_132 : memref<128xi32, #tpu.memory_space<vmem>>) target_semaphore(%run_scoped3A_124 : memref<!tpu.dma_semaphore, #tpu.memory_space<semaphore_mem>>)
      %dma_wait3A_135 = arith.constant 0 : i32
      %dma_wait3A_136 = tpu.memref_slice %arg5[%run_scoped3A, %dma_wait3A_135] : memref<4x128xi32, #tpu.memory_space<vmem>> -> memref<1x128xi32, #tpu.memory_space<vmem>>
      %dma_wait3A_137 = tpu.memref_squeeze %dma_wait3A_136 : memref<1x128xi32, #tpu.memory_space<vmem>> -> memref<128xi32, #tpu.memory_space<vmem>>
      %dma_wait3A_138 = tpu.memref_slice %arg3[%select_n3A, %add3A_34] : memref<8x2048xi32, #tpu.memory_space<hbm>> -> memref<1x128xi32, #tpu.memory_space<hbm>>
      %dma_wait3A_139 = tpu.memref_squeeze %dma_wait3A_138 : memref<1x128xi32, #tpu.memory_space<hbm>> -> memref<128xi32, #tpu.memory_space<hbm>>
      %dma_wait3A_140 = arith.constant 0 : i32
      %dma_wait3A_141 = tpu.memref_slice %arg5[%run_scoped3A, %dma_wait3A_140] : memref<4x128xi32, #tpu.memory_space<vmem>> -> memref<1x128xi32, #tpu.memory_space<vmem>>
      %dma_wait3A_142 = tpu.memref_squeeze %dma_wait3A_141 : memref<1x128xi32, #tpu.memory_space<vmem>> -> memref<128xi32, #tpu.memory_space<vmem>>
      %dma_wait3A_143 = tpu.memref_slice %arg3[%select_n3A, %add3A_34] : memref<8x2048xi32, #tpu.memory_space<hbm>> -> memref<1x128xi32, #tpu.memory_space<hbm>>
      %dma_wait3A_144 = tpu.memref_squeeze %dma_wait3A_143 : memref<1x128xi32, #tpu.memory_space<hbm>> -> memref<128xi32, #tpu.memory_space<hbm>>
      tpu.wait_dma2 semaphore(%run_scoped3A_124 : memref<!tpu.dma_semaphore, #tpu.memory_space<semaphore_mem>>) src(%dma_wait3A_144 : memref<128xi32, #tpu.memory_space<hbm>>) dst(%dma_wait3A_142 : memref<128xi32, #tpu.memory_space<vmem>>)
      tpu.yield
    }) : () -> ()
    %add3A_35 = arith.constant 128 : i32
    %add3A_36 = arith.addi %mul3A_32, %add3A_35 : i32
    %run_scoped3A_37 = arith.constant 1 : i32
    "tpu.region"() ({
      %run_scoped3A_124 = tpu.sem_alloc : memref<!tpu.dma_semaphore, #tpu.memory_space<semaphore_mem>>
      %dma_start3A_125 = arith.constant 0 : i32
      %dma_start3A_126 = tpu.memref_slice %arg5[%run_scoped3A_37, %dma_start3A_125] : memref<4x128xi32, #tpu.memory_space<vmem>> -> memref<1x128xi32, #tpu.memory_space<vmem>>
      %dma_start3A_127 = tpu.memref_squeeze %dma_start3A_126 : memref<1x128xi32, #tpu.memory_space<vmem>> -> memref<128xi32, #tpu.memory_space<vmem>>
      %dma_start3A_128 = tpu.memref_slice %arg3[%select_n3A, %add3A_36] : memref<8x2048xi32, #tpu.memory_space<hbm>> -> memref<1x128xi32, #tpu.memory_space<hbm>>
      %dma_start3A_129 = tpu.memref_squeeze %dma_start3A_128 : memref<1x128xi32, #tpu.memory_space<hbm>> -> memref<128xi32, #tpu.memory_space<hbm>>
      %dma_start3A_130 = arith.constant 0 : i32
      %dma_start3A_131 = tpu.memref_slice %arg5[%run_scoped3A_37, %dma_start3A_130] : memref<4x128xi32, #tpu.memory_space<vmem>> -> memref<1x128xi32, #tpu.memory_space<vmem>>
      %dma_start3A_132 = tpu.memref_squeeze %dma_start3A_131 : memref<1x128xi32, #tpu.memory_space<vmem>> -> memref<128xi32, #tpu.memory_space<vmem>>
      %dma_start3A_133 = tpu.memref_slice %arg3[%select_n3A, %add3A_36] : memref<8x2048xi32, #tpu.memory_space<hbm>> -> memref<1x128xi32, #tpu.memory_space<hbm>>
      %dma_start3A_134 = tpu.memref_squeeze %dma_start3A_133 : memref<1x128xi32, #tpu.memory_space<hbm>> -> memref<128xi32, #tpu.memory_space<hbm>>
      tpu.enqueue_dma source(%dma_start3A_134 : memref<128xi32, #tpu.memory_space<hbm>>) target(%dma_start3A_132 : memref<128xi32, #tpu.memory_space<vmem>>) target_semaphore(%run_scoped3A_124 : memref<!tpu.dma_semaphore, #tpu.memory_space<semaphore_mem>>)
      %dma_wait3A_135 = arith.constant 0 : i32
      %dma_wait3A_136 = tpu.memref_slice %arg5[%run_scoped3A_37, %dma_wait3A_135] : memref<4x128xi32, #tpu.memory_space<vmem>> -> memref<1x128xi32, #tpu.memory_space<vmem>>
      %dma_wait3A_137 = tpu.memref_squeeze %dma_wait3A_136 : memref<1x128xi32, #tpu.memory_space<vmem>> -> memref<128xi32, #tpu.memory_space<vmem>>
      %dma_wait3A_138 = tpu.memref_slice %arg3[%select_n3A, %add3A_36] : memref<8x2048xi32, #tpu.memory_space<hbm>> -> memref<1x128xi32, #tpu.memory_space<hbm>>
      %dma_wait3A_139 = tpu.memref_squeeze %dma_wait3A_138 : memref<1x128xi32, #tpu.memory_space<hbm>> -> memref<128xi32, #tpu.memory_space<hbm>>
      %dma_wait3A_140 = arith.constant 0 : i32
      %dma_wait3A_141 = tpu.memref_slice %arg5[%run_scoped3A_37, %dma_wait3A_140] : memref<4x128xi32, #tpu.memory_space<vmem>> -> memref<1x128xi32, #tpu.memory_space<vmem>>
      %dma_wait3A_142 = tpu.memref_squeeze %dma_wait3A_141 : memref<1x128xi32, #tpu.memory_space<vmem>> -> memref<128xi32, #tpu.memory_space<vmem>>
      %dma_wait3A_143 = tpu.memref_slice %arg3[%select_n3A, %add3A_36] : memref<8x2048xi32, #tpu.memory_space<hbm>> -> memref<1x128xi32, #tpu.memory_space<hbm>>
      %dma_wait3A_144 = tpu.memref_squeeze %dma_wait3A_143 : memref<1x128xi32, #tpu.memory_space<hbm>> -> memref<128xi32, #tpu.memory_space<hbm>>
      tpu.wait_dma2 semaphore(%run_scoped3A_124 : memref<!tpu.dma_semaphore, #tpu.memory_space<semaphore_mem>>) src(%dma_wait3A_144 : memref<128xi32, #tpu.memory_space<hbm>>) dst(%dma_wait3A_142 : memref<128xi32, #tpu.memory_space<vmem>>)
      tpu.yield
    }) : () -> ()
    %add3A_38 = arith.constant 256 : i32
    %add3A_39 = arith.addi %mul3A_32, %add3A_38 : i32
    %run_scoped3A_40 = arith.constant 2 : i32
    "tpu.region"() ({
      %run_scoped3A_124 = tpu.sem_alloc : memref<!tpu.dma_semaphore, #tpu.memory_space<semaphore_mem>>
      %dma_start3A_125 = arith.constant 0 : i32
      %dma_start3A_126 = tpu.memref_slice %arg5[%run_scoped3A_40, %dma_start3A_125] : memref<4x128xi32, #tpu.memory_space<vmem>> -> memref<1x128xi32, #tpu.memory_space<vmem>>
      %dma_start3A_127 = tpu.memref_squeeze %dma_start3A_126 : memref<1x128xi32, #tpu.memory_space<vmem>> -> memref<128xi32, #tpu.memory_space<vmem>>
      %dma_start3A_128 = tpu.memref_slice %arg3[%select_n3A, %add3A_39] : memref<8x2048xi32, #tpu.memory_space<hbm>> -> memref<1x128xi32, #tpu.memory_space<hbm>>
      %dma_start3A_129 = tpu.memref_squeeze %dma_start3A_128 : memref<1x128xi32, #tpu.memory_space<hbm>> -> memref<128xi32, #tpu.memory_space<hbm>>
      %dma_start3A_130 = arith.constant 0 : i32
      %dma_start3A_131 = tpu.memref_slice %arg5[%run_scoped3A_40, %dma_start3A_130] : memref<4x128xi32, #tpu.memory_space<vmem>> -> memref<1x128xi32, #tpu.memory_space<vmem>>
      %dma_start3A_132 = tpu.memref_squeeze %dma_start3A_131 : memref<1x128xi32, #tpu.memory_space<vmem>> -> memref<128xi32, #tpu.memory_space<vmem>>
      %dma_start3A_133 = tpu.memref_slice %arg3[%select_n3A, %add3A_39] : memref<8x2048xi32, #tpu.memory_space<hbm>> -> memref<1x128xi32, #tpu.memory_space<hbm>>
      %dma_start3A_134 = tpu.memref_squeeze %dma_start3A_133 : memref<1x128xi32, #tpu.memory_space<hbm>> -> memref<128xi32, #tpu.memory_space<hbm>>
      tpu.enqueue_dma source(%dma_start3A_134 : memref<128xi32, #tpu.memory_space<hbm>>) target(%dma_start3A_132 : memref<128xi32, #tpu.memory_space<vmem>>) target_semaphore(%run_scoped3A_124 : memref<!tpu.dma_semaphore, #tpu.memory_space<semaphore_mem>>)
      %dma_wait3A_135 = arith.constant 0 : i32
      %dma_wait3A_136 = tpu.memref_slice %arg5[%run_scoped3A_40, %dma_wait3A_135] : memref<4x128xi32, #tpu.memory_space<vmem>> -> memref<1x128xi32, #tpu.memory_space<vmem>>
      %dma_wait3A_137 = tpu.memref_squeeze %dma_wait3A_136 : memref<1x128xi32, #tpu.memory_space<vmem>> -> memref<128xi32, #tpu.memory_space<vmem>>
      %dma_wait3A_138 = tpu.memref_slice %arg3[%select_n3A, %add3A_39] : memref<8x2048xi32, #tpu.memory_space<hbm>> -> memref<1x128xi32, #tpu.memory_space<hbm>>
      %dma_wait3A_139 = tpu.memref_squeeze %dma_wait3A_138 : memref<1x128xi32, #tpu.memory_space<hbm>> -> memref<128xi32, #tpu.memory_space<hbm>>
      %dma_wait3A_140 = arith.constant 0 : i32
      %dma_wait3A_141 = tpu.memref_slice %arg5[%run_scoped3A_40, %dma_wait3A_140] : memref<4x128xi32, #tpu.memory_space<vmem>> -> memref<1x128xi32, #tpu.memory_space<vmem>>
      %dma_wait3A_142 = tpu.memref_squeeze %dma_wait3A_141 : memref<1x128xi32, #tpu.memory_space<vmem>> -> memref<128xi32, #tpu.memory_space<vmem>>
      %dma_wait3A_143 = tpu.memref_slice %arg3[%select_n3A, %add3A_39] : memref<8x2048xi32, #tpu.memory_space<hbm>> -> memref<1x128xi32, #tpu.memory_space<hbm>>
      %dma_wait3A_144 = tpu.memref_squeeze %dma_wait3A_143 : memref<1x128xi32, #tpu.memory_space<hbm>> -> memref<128xi32, #tpu.memory_space<hbm>>
      tpu.wait_dma2 semaphore(%run_scoped3A_124 : memref<!tpu.dma_semaphore, #tpu.memory_space<semaphore_mem>>) src(%dma_wait3A_144 : memref<128xi32, #tpu.memory_space<hbm>>) dst(%dma_wait3A_142 : memref<128xi32, #tpu.memory_space<vmem>>)
      tpu.yield
    }) : () -> ()
    %add3A_41 = arith.constant 384 : i32
    %add3A_42 = arith.addi %mul3A_32, %add3A_41 : i32
    %run_scoped3A_43 = arith.constant 3 : i32
    "tpu.region"() ({
      %run_scoped3A_124 = tpu.sem_alloc : memref<!tpu.dma_semaphore, #tpu.memory_space<semaphore_mem>>
      %dma_start3A_125 = arith.constant 0 : i32
      %dma_start3A_126 = tpu.memref_slice %arg5[%run_scoped3A_43, %dma_start3A_125] : memref<4x128xi32, #tpu.memory_space<vmem>> -> memref<1x128xi32, #tpu.memory_space<vmem>>
      %dma_start3A_127 = tpu.memref_squeeze %dma_start3A_126 : memref<1x128xi32, #tpu.memory_space<vmem>> -> memref<128xi32, #tpu.memory_space<vmem>>
      %dma_start3A_128 = tpu.memref_slice %arg3[%select_n3A, %add3A_42] : memref<8x2048xi32, #tpu.memory_space<hbm>> -> memref<1x128xi32, #tpu.memory_space<hbm>>
      %dma_start3A_129 = tpu.memref_squeeze %dma_start3A_128 : memref<1x128xi32, #tpu.memory_space<hbm>> -> memref<128xi32, #tpu.memory_space<hbm>>
      %dma_start3A_130 = arith.constant 0 : i32
      %dma_start3A_131 = tpu.memref_slice %arg5[%run_scoped3A_43, %dma_start3A_130] : memref<4x128xi32, #tpu.memory_space<vmem>> -> memref<1x128xi32, #tpu.memory_space<vmem>>
      %dma_start3A_132 = tpu.memref_squeeze %dma_start3A_131 : memref<1x128xi32, #tpu.memory_space<vmem>> -> memref<128xi32, #tpu.memory_space<vmem>>
      %dma_start3A_133 = tpu.memref_slice %arg3[%select_n3A, %add3A_42] : memref<8x2048xi32, #tpu.memory_space<hbm>> -> memref<1x128xi32, #tpu.memory_space<hbm>>
      %dma_start3A_134 = tpu.memref_squeeze %dma_start3A_133 : memref<1x128xi32, #tpu.memory_space<hbm>> -> memref<128xi32, #tpu.memory_space<hbm>>
      tpu.enqueue_dma source(%dma_start3A_134 : memref<128xi32, #tpu.memory_space<hbm>>) target(%dma_start3A_132 : memref<128xi32, #tpu.memory_space<vmem>>) target_semaphore(%run_scoped3A_124 : memref<!tpu.dma_semaphore, #tpu.memory_space<semaphore_mem>>)
      %dma_wait3A_135 = arith.constant 0 : i32
      %dma_wait3A_136 = tpu.memref_slice %arg5[%run_scoped3A_43, %dma_wait3A_135] : memref<4x128xi32, #tpu.memory_space<vmem>> -> memref<1x128xi32, #tpu.memory_space<vmem>>
      %dma_wait3A_137 = tpu.memref_squeeze %dma_wait3A_136 : memref<1x128xi32, #tpu.memory_space<vmem>> -> memref<128xi32, #tpu.memory_space<vmem>>
      %dma_wait3A_138 = tpu.memref_slice %arg3[%select_n3A, %add3A_42] : memref<8x2048xi32, #tpu.memory_space<hbm>> -> memref<1x128xi32, #tpu.memory_space<hbm>>
      %dma_wait3A_139 = tpu.memref_squeeze %dma_wait3A_138 : memref<1x128xi32, #tpu.memory_space<hbm>> -> memref<128xi32, #tpu.memory_space<hbm>>
      %dma_wait3A_140 = arith.constant 0 : i32
      %dma_wait3A_141 = tpu.memref_slice %arg5[%run_scoped3A_43, %dma_wait3A_140] : memref<4x128xi32, #tpu.memory_space<vmem>> -> memref<1x128xi32, #tpu.memory_space<vmem>>
      %dma_wait3A_142 = tpu.memref_squeeze %dma_wait3A_141 : memref<1x128xi32, #tpu.memory_space<vmem>> -> memref<128xi32, #tpu.memory_space<vmem>>
      %dma_wait3A_143 = tpu.memref_slice %arg3[%select_n3A, %add3A_42] : memref<8x2048xi32, #tpu.memory_space<hbm>> -> memref<1x128xi32, #tpu.memory_space<hbm>>
      %dma_wait3A_144 = tpu.memref_squeeze %dma_wait3A_143 : memref<1x128xi32, #tpu.memory_space<hbm>> -> memref<128xi32, #tpu.memory_space<hbm>>
      tpu.wait_dma2 semaphore(%run_scoped3A_124 : memref<!tpu.dma_semaphore, #tpu.memory_space<semaphore_mem>>) src(%dma_wait3A_144 : memref<128xi32, #tpu.memory_space<hbm>>) dst(%dma_wait3A_142 : memref<128xi32, #tpu.memory_space<vmem>>)
      tpu.yield
    }) : () -> ()
    %dma_start3A = arith.constant 0 : i32
    %dma_start3A_44 = arith.constant 0 : i32
    %dma_start3A_45 = arith.constant 0 : i32
    %dma_start3A_46 = tpu.memref_slice %arg6[%dma_start3A_44, %dma_start3A_45] : memref<512x128xf32, #tpu.memory_space<vmem>> -> memref<128x128xf32, #tpu.memory_space<vmem>>
    %dma_start3A_47 = arith.constant 0 : i32
    %dma_start3A_48 = tpu.memref_slice %arg5[%dma_start3A, %dma_start3A_47] : memref<4x128xi32, #tpu.memory_space<vmem>> -> memref<1x128xi32, #tpu.memory_space<vmem>>
    %dma_start3A_49 = tpu.memref_squeeze %dma_start3A_48 : memref<1x128xi32, #tpu.memory_space<vmem>> -> memref<128xi32, #tpu.memory_space<vmem>>
    %dma_start3A_50 = arith.constant 0 : i32
    %dma_start3A_51 = arith.constant 0 : i32
    %dma_start3A_52 = tpu.memref_slice %arg2[%dma_start3A_50, %dma_start3A_51] : memref<65536x128xf32, #tpu.memory_space<hbm>> -> memref<65536x128xf32, #tpu.memory_space<hbm>>
    tpu.enqueue_indirect_dma source(%dma_start3A_52 : memref<65536x128xf32, #tpu.memory_space<hbm>>) target(%dma_start3A_46 : memref<128x128xf32, #tpu.memory_space<vmem>>) offsets(%dma_start3A_49 : memref<128xi32, #tpu.memory_space<vmem>>) semaphore(%arg7 : memref<!tpu.dma_semaphore, #tpu.memory_space<semaphore_mem>>)
    %dma_start3A_53 = arith.constant 1 : i32
    %dma_start3A_54 = arith.constant 128 : i32
    %dma_start3A_55 = arith.constant 0 : i32
    %dma_start3A_56 = tpu.memref_slice %arg6[%dma_start3A_54, %dma_start3A_55] : memref<512x128xf32, #tpu.memory_space<vmem>> -> memref<128x128xf32, #tpu.memory_space<vmem>>
    %dma_start3A_57 = arith.constant 0 : i32
    %dma_start3A_58 = tpu.memref_slice %arg5[%dma_start3A_53, %dma_start3A_57] : memref<4x128xi32, #tpu.memory_space<vmem>> -> memref<1x128xi32, #tpu.memory_space<vmem>>
    %dma_start3A_59 = tpu.memref_squeeze %dma_start3A_58 : memref<1x128xi32, #tpu.memory_space<vmem>> -> memref<128xi32, #tpu.memory_space<vmem>>
    %dma_start3A_60 = arith.constant 0 : i32
    %dma_start3A_61 = arith.constant 0 : i32
    %dma_start3A_62 = tpu.memref_slice %arg2[%dma_start3A_60, %dma_start3A_61] : memref<65536x128xf32, #tpu.memory_space<hbm>> -> memref<65536x128xf32, #tpu.memory_space<hbm>>
    tpu.enqueue_indirect_dma source(%dma_start3A_62 : memref<65536x128xf32, #tpu.memory_space<hbm>>) target(%dma_start3A_56 : memref<128x128xf32, #tpu.memory_space<vmem>>) offsets(%dma_start3A_59 : memref<128xi32, #tpu.memory_space<vmem>>) semaphore(%arg7 : memref<!tpu.dma_semaphore, #tpu.memory_space<semaphore_mem>>)
    %dma_start3A_63 = arith.constant 2 : i32
    %dma_start3A_64 = arith.constant 256 : i32
    %dma_start3A_65 = arith.constant 0 : i32
    %dma_start3A_66 = tpu.memref_slice %arg6[%dma_start3A_64, %dma_start3A_65] : memref<512x128xf32, #tpu.memory_space<vmem>> -> memref<128x128xf32, #tpu.memory_space<vmem>>
    %dma_start3A_67 = arith.constant 0 : i32
    %dma_start3A_68 = tpu.memref_slice %arg5[%dma_start3A_63, %dma_start3A_67] : memref<4x128xi32, #tpu.memory_space<vmem>> -> memref<1x128xi32, #tpu.memory_space<vmem>>
    %dma_start3A_69 = tpu.memref_squeeze %dma_start3A_68 : memref<1x128xi32, #tpu.memory_space<vmem>> -> memref<128xi32, #tpu.memory_space<vmem>>
    %dma_start3A_70 = arith.constant 0 : i32
    %dma_start3A_71 = arith.constant 0 : i32
    %dma_start3A_72 = tpu.memref_slice %arg2[%dma_start3A_70, %dma_start3A_71] : memref<65536x128xf32, #tpu.memory_space<hbm>> -> memref<65536x128xf32, #tpu.memory_space<hbm>>
    tpu.enqueue_indirect_dma source(%dma_start3A_72 : memref<65536x128xf32, #tpu.memory_space<hbm>>) target(%dma_start3A_66 : memref<128x128xf32, #tpu.memory_space<vmem>>) offsets(%dma_start3A_69 : memref<128xi32, #tpu.memory_space<vmem>>) semaphore(%arg7 : memref<!tpu.dma_semaphore, #tpu.memory_space<semaphore_mem>>)
    %dma_start3A_73 = arith.constant 3 : i32
    %dma_start3A_74 = arith.constant 384 : i32
    %dma_start3A_75 = arith.constant 0 : i32
    %dma_start3A_76 = tpu.memref_slice %arg6[%dma_start3A_74, %dma_start3A_75] : memref<512x128xf32, #tpu.memory_space<vmem>> -> memref<128x128xf32, #tpu.memory_space<vmem>>
    %dma_start3A_77 = arith.constant 0 : i32
    %dma_start3A_78 = tpu.memref_slice %arg5[%dma_start3A_73, %dma_start3A_77] : memref<4x128xi32, #tpu.memory_space<vmem>> -> memref<1x128xi32, #tpu.memory_space<vmem>>
    %dma_start3A_79 = tpu.memref_squeeze %dma_start3A_78 : memref<1x128xi32, #tpu.memory_space<vmem>> -> memref<128xi32, #tpu.memory_space<vmem>>
    %dma_start3A_80 = arith.constant 0 : i32
    %dma_start3A_81 = arith.constant 0 : i32
    %dma_start3A_82 = tpu.memref_slice %arg2[%dma_start3A_80, %dma_start3A_81] : memref<65536x128xf32, #tpu.memory_space<hbm>> -> memref<65536x128xf32, #tpu.memory_space<hbm>>
    tpu.enqueue_indirect_dma source(%dma_start3A_82 : memref<65536x128xf32, #tpu.memory_space<hbm>>) target(%dma_start3A_76 : memref<128x128xf32, #tpu.memory_space<vmem>>) offsets(%dma_start3A_79 : memref<128xi32, #tpu.memory_space<vmem>>) semaphore(%arg7 : memref<!tpu.dma_semaphore, #tpu.memory_space<semaphore_mem>>)
    %dma_wait3A = arith.constant 0 : i32
    %dma_wait3A_83 = arith.constant 0 : i32
    %dma_wait3A_84 = arith.constant 0 : i32
    %dma_wait3A_85 = tpu.memref_slice %arg6[%dma_wait3A_83, %dma_wait3A_84] : memref<512x128xf32, #tpu.memory_space<vmem>> -> memref<128x128xf32, #tpu.memory_space<vmem>>
    %dma_wait3A_86 = arith.constant 0 : i32
    %dma_wait3A_87 = tpu.memref_slice %arg5[%dma_wait3A, %dma_wait3A_86] : memref<4x128xi32, #tpu.memory_space<vmem>> -> memref<1x128xi32, #tpu.memory_space<vmem>>
    %dma_wait3A_88 = tpu.memref_squeeze %dma_wait3A_87 : memref<1x128xi32, #tpu.memory_space<vmem>> -> memref<128xi32, #tpu.memory_space<vmem>>
    %dma_wait3A_89 = arith.constant 0 : i32
    %dma_wait3A_90 = arith.constant 0 : i32
    %dma_wait3A_91 = tpu.memref_slice %arg2[%dma_wait3A_89, %dma_wait3A_90] : memref<65536x128xf32, #tpu.memory_space<hbm>> -> memref<65536x128xf32, #tpu.memory_space<hbm>>
    tpu.wait_indirect_dma semaphore(%arg7 : memref<!tpu.dma_semaphore, #tpu.memory_space<semaphore_mem>>) src(%dma_wait3A_91 : memref<65536x128xf32, #tpu.memory_space<hbm>>) dst(%dma_wait3A_85 : memref<128x128xf32, #tpu.memory_space<vmem>>)
    %dma_wait3A_92 = arith.constant 1 : i32
    %dma_wait3A_93 = arith.constant 128 : i32
    %dma_wait3A_94 = arith.constant 0 : i32
    %dma_wait3A_95 = tpu.memref_slice %arg6[%dma_wait3A_93, %dma_wait3A_94] : memref<512x128xf32, #tpu.memory_space<vmem>> -> memref<128x128xf32, #tpu.memory_space<vmem>>
    %dma_wait3A_96 = arith.constant 0 : i32
    %dma_wait3A_97 = tpu.memref_slice %arg5[%dma_wait3A_92, %dma_wait3A_96] : memref<4x128xi32, #tpu.memory_space<vmem>> -> memref<1x128xi32, #tpu.memory_space<vmem>>
    %dma_wait3A_98 = tpu.memref_squeeze %dma_wait3A_97 : memref<1x128xi32, #tpu.memory_space<vmem>> -> memref<128xi32, #tpu.memory_space<vmem>>
    %dma_wait3A_99 = arith.constant 0 : i32
    %dma_wait3A_100 = arith.constant 0 : i32
    %dma_wait3A_101 = tpu.memref_slice %arg2[%dma_wait3A_99, %dma_wait3A_100] : memref<65536x128xf32, #tpu.memory_space<hbm>> -> memref<65536x128xf32, #tpu.memory_space<hbm>>
    tpu.wait_indirect_dma semaphore(%arg7 : memref<!tpu.dma_semaphore, #tpu.memory_space<semaphore_mem>>) src(%dma_wait3A_101 : memref<65536x128xf32, #tpu.memory_space<hbm>>) dst(%dma_wait3A_95 : memref<128x128xf32, #tpu.memory_space<vmem>>)
    %dma_wait3A_102 = arith.constant 2 : i32
    %dma_wait3A_103 = arith.constant 256 : i32
    %dma_wait3A_104 = arith.constant 0 : i32
    %dma_wait3A_105 = tpu.memref_slice %arg6[%dma_wait3A_103, %dma_wait3A_104] : memref<512x128xf32, #tpu.memory_space<vmem>> -> memref<128x128xf32, #tpu.memory_space<vmem>>
    %dma_wait3A_106 = arith.constant 0 : i32
    %dma_wait3A_107 = tpu.memref_slice %arg5[%dma_wait3A_102, %dma_wait3A_106] : memref<4x128xi32, #tpu.memory_space<vmem>> -> memref<1x128xi32, #tpu.memory_space<vmem>>
    %dma_wait3A_108 = tpu.memref_squeeze %dma_wait3A_107 : memref<1x128xi32, #tpu.memory_space<vmem>> -> memref<128xi32, #tpu.memory_space<vmem>>
    %dma_wait3A_109 = arith.constant 0 : i32
    %dma_wait3A_110 = arith.constant 0 : i32
    %dma_wait3A_111 = tpu.memref_slice %arg2[%dma_wait3A_109, %dma_wait3A_110] : memref<65536x128xf32, #tpu.memory_space<hbm>> -> memref<65536x128xf32, #tpu.memory_space<hbm>>
    tpu.wait_indirect_dma semaphore(%arg7 : memref<!tpu.dma_semaphore, #tpu.memory_space<semaphore_mem>>) src(%dma_wait3A_111 : memref<65536x128xf32, #tpu.memory_space<hbm>>) dst(%dma_wait3A_105 : memref<128x128xf32, #tpu.memory_space<vmem>>)
    %dma_wait3A_112 = arith.constant 3 : i32
    %dma_wait3A_113 = arith.constant 384 : i32
    %dma_wait3A_114 = arith.constant 0 : i32
    %dma_wait3A_115 = tpu.memref_slice %arg6[%dma_wait3A_113, %dma_wait3A_114] : memref<512x128xf32, #tpu.memory_space<vmem>> -> memref<128x128xf32, #tpu.memory_space<vmem>>
    %dma_wait3A_116 = arith.constant 0 : i32
    %dma_wait3A_117 = tpu.memref_slice %arg5[%dma_wait3A_112, %dma_wait3A_116] : memref<4x128xi32, #tpu.memory_space<vmem>> -> memref<1x128xi32, #tpu.memory_space<vmem>>
    %dma_wait3A_118 = tpu.memref_squeeze %dma_wait3A_117 : memref<1x128xi32, #tpu.memory_space<vmem>> -> memref<128xi32, #tpu.memory_space<vmem>>
    %dma_wait3A_119 = arith.constant 0 : i32
    %dma_wait3A_120 = arith.constant 0 : i32
    %dma_wait3A_121 = tpu.memref_slice %arg2[%dma_wait3A_119, %dma_wait3A_120] : memref<65536x128xf32, #tpu.memory_space<hbm>> -> memref<65536x128xf32, #tpu.memory_space<hbm>>
    tpu.wait_indirect_dma semaphore(%arg7 : memref<!tpu.dma_semaphore, #tpu.memory_space<semaphore_mem>>) src(%dma_wait3A_121 : memref<65536x128xf32, #tpu.memory_space<hbm>>) dst(%dma_wait3A_115 : memref<128x128xf32, #tpu.memory_space<vmem>>)
    %mul3A_122 = arith.constant 512 : i32
    %mul3A_123 = arith.muli %add3A, %mul3A_122 : i32
    "tpu.region"() ({
      %run_scoped3A_124 = tpu.sem_alloc : memref<!tpu.dma_semaphore, #tpu.memory_space<semaphore_mem>>
      %dma_start3A_125 = arith.constant 0 : i32
      %dma_start3A_126 = tpu.memref_slice %arg4[%mul3A_123, %dma_start3A_125] : memref<16384x128xf32, #tpu.memory_space<hbm>> -> memref<512x128xf32, #tpu.memory_space<hbm>>
      %dma_start3A_127 = arith.constant 0 : i32
      %dma_start3A_128 = tpu.memref_slice %arg4[%mul3A_123, %dma_start3A_127] : memref<16384x128xf32, #tpu.memory_space<hbm>> -> memref<512x128xf32, #tpu.memory_space<hbm>>
      tpu.enqueue_dma source(%arg6 : memref<512x128xf32, #tpu.memory_space<vmem>>) target(%dma_start3A_128 : memref<512x128xf32, #tpu.memory_space<hbm>>) target_semaphore(%run_scoped3A_124 : memref<!tpu.dma_semaphore, #tpu.memory_space<semaphore_mem>>)
      %dma_wait3A_129 = arith.constant 0 : i32
      %dma_wait3A_130 = tpu.memref_slice %arg4[%mul3A_123, %dma_wait3A_129] : memref<16384x128xf32, #tpu.memory_space<hbm>> -> memref<512x128xf32, #tpu.memory_space<hbm>>
      %dma_wait3A_131 = arith.constant 0 : i32
      %dma_wait3A_132 = tpu.memref_slice %arg4[%mul3A_123, %dma_wait3A_131] : memref<16384x128xf32, #tpu.memory_space<hbm>> -> memref<512x128xf32, #tpu.memory_space<hbm>>
      tpu.wait_dma2 semaphore(%run_scoped3A_124 : memref<!tpu.dma_semaphore, #tpu.memory_space<semaphore_mem>>) src(%arg6 : memref<512x128xf32, #tpu.memory_space<vmem>>) dst(%dma_wait3A_132 : memref<512x128xf32, #tpu.memory_space<hbm>>)
      tpu.yield
    }) : () -> ()
    return
  }
}

module attributes {stable_mosaic.version = 14 : i64} {
  func.func @_lambda_(%arg0: i32, %arg1: memref<256x1024xf32, #tpu.memory_space<vmem>>, %arg2: memref<256x1xf32, #tpu.memory_space<vmem>>, %arg3: memref<1x8x4096x128xf32, #tpu.memory_space<vmem>>, %arg4: memref<1x8x1x4096xf32, #tpu.memory_space<vmem>>, %arg5: memref<8x256xi32, #tpu.memory_space<vmem>>) attributes {dimension_semantics = [#tpu.dimension_semantics<arbitrary>], iteration_bounds = array<i64: 8>, scalar_prefetch = 0 : i64, scratch_operands = 0 : i64, tpu.core_type = #tpu.core_type<tc>, window_params = [{transform_indices = @transform_0, window_bounds = array<i64: 256, 1024>}, {transform_indices = @transform_1, window_bounds = array<i64: 256, 1>}, {transform_indices = @transform_2, window_bounds = array<i64: 1, 8, 4096, 128>}, {transform_indices = @transform_3, window_bounds = array<i64: 1, 8, 1, 4096>}, {transform_indices = @transform_4, window_bounds = array<i64: 8, 256>}]} {
    %get3A = arith.constant 0 : index
    %get3A_0 = arith.constant 0 : index
    %get3A_1 = vector.load %arg1[%get3A, %get3A_0] : memref<256x1024xf32, #tpu.memory_space<vmem>>, vector<256x1024xf32>
    %get3A_2 = arith.constant 0 : index
    %get3A_3 = arith.constant 0 : index
    %get3A_4 = vector.load %arg2[%get3A_2, %get3A_3] : memref<256x1xf32, #tpu.memory_space<vmem>>, vector<256x1xf32>
    %div3A = vector.broadcast %get3A_4 : vector<256x1xf32> to vector<256x1024xf32>
    %div3A_5 = arith.divf %get3A_1, %div3A : vector<256x1024xf32>
    %slice3A = vector.extract_strided_slice %div3A_5 {offsets = [0, 0], sizes = [256, 128], strides = [1, 1]} : vector<256x1024xf32> to vector<256x128xf32>
    %get3A_6 = arith.constant 0 : index
    %get3A_7 = arith.constant 0 : index
    %get3A_8 = arith.constant 0 : index
    %get3A_9 = arith.constant 0 : index
    %get3A_10 = vector.load %arg3[%get3A_6, %get3A_7, %get3A_8, %get3A_9] : memref<1x8x4096x128xf32, #tpu.memory_space<vmem>>, vector<1x1x4096x128xf32>
    %get3A_11 = vector.shape_cast %get3A_10 : vector<1x1x4096x128xf32> to vector<4096x128xf32>
    %dot_general3A = arith.constant dense<0.000000e+00> : vector<256x4096xf32>
    %dot_general3A_12 = tpu.matmul %slice3A, %get3A_11, %dot_general3A {dimension_numbers = #tpu.dot_dimension_numbers<[1], [1], [0], [0], [0, 0, 1, 0], [], []>, transpose_lhs_hint = false} : vector<256x128xf32>, vector<4096x128xf32>, vector<256x4096xf32> -> vector<256x4096xf32>
    %get3A_13 = arith.constant 0 : index
    %get3A_14 = arith.constant 0 : index
    %get3A_15 = arith.constant 0 : index
    %get3A_16 = arith.constant 0 : index
    %get3A_17 = vector.load %arg4[%get3A_13, %get3A_14, %get3A_15, %get3A_16] : memref<1x8x1x4096xf32, #tpu.memory_space<vmem>>, vector<1x1x1x4096xf32>
    %get3A_18 = vector.shape_cast %get3A_17 : vector<1x1x1x4096xf32> to vector<1x4096xf32>
    %add3A = vector.broadcast %get3A_18 : vector<1x4096xf32> to vector<256x4096xf32>
    %add3A_19 = arith.addf %dot_general3A_12, %add3A : vector<256x4096xf32>
    %argmin3A = tpu.reduce_index %add3A_19 {axis = 1 : i32, kind = #tpu.reduction_kind<arg_min>} : vector<256x4096xf32> -> vector<256xi32>
    %reshape3A = vector.shape_cast %argmin3A : vector<256xi32> to vector<256x1xi32>
    %slice3A_20 = vector.extract_strided_slice %div3A_5 {offsets = [0, 128], sizes = [256, 128], strides = [1, 1]} : vector<256x1024xf32> to vector<256x128xf32>
    %get3A_21 = arith.constant 0 : index
    %get3A_22 = arith.constant 1 : index
    %get3A_23 = arith.constant 0 : index
    %get3A_24 = arith.constant 0 : index
    %get3A_25 = vector.load %arg3[%get3A_21, %get3A_22, %get3A_23, %get3A_24] : memref<1x8x4096x128xf32, #tpu.memory_space<vmem>>, vector<1x1x4096x128xf32>
    %get3A_26 = vector.shape_cast %get3A_25 : vector<1x1x4096x128xf32> to vector<4096x128xf32>
    %dot_general3A_27 = arith.constant dense<0.000000e+00> : vector<256x4096xf32>
    %dot_general3A_28 = tpu.matmul %slice3A_20, %get3A_26, %dot_general3A_27 {dimension_numbers = #tpu.dot_dimension_numbers<[1], [1], [0], [0], [0, 0, 1, 0], [], []>, transpose_lhs_hint = false} : vector<256x128xf32>, vector<4096x128xf32>, vector<256x4096xf32> -> vector<256x4096xf32>
    %get3A_29 = arith.constant 0 : index
    %get3A_30 = arith.constant 1 : index
    %get3A_31 = arith.constant 0 : index
    %get3A_32 = arith.constant 0 : index
    %get3A_33 = vector.load %arg4[%get3A_29, %get3A_30, %get3A_31, %get3A_32] : memref<1x8x1x4096xf32, #tpu.memory_space<vmem>>, vector<1x1x1x4096xf32>
    %get3A_34 = vector.shape_cast %get3A_33 : vector<1x1x1x4096xf32> to vector<1x4096xf32>
    %add3A_35 = vector.broadcast %get3A_34 : vector<1x4096xf32> to vector<256x4096xf32>
    %add3A_36 = arith.addf %dot_general3A_28, %add3A_35 : vector<256x4096xf32>
    %argmin3A_37 = tpu.reduce_index %add3A_36 {axis = 1 : i32, kind = #tpu.reduction_kind<arg_min>} : vector<256x4096xf32> -> vector<256xi32>
    %reshape3A_38 = vector.shape_cast %argmin3A_37 : vector<256xi32> to vector<256x1xi32>
    %slice3A_39 = vector.extract_strided_slice %div3A_5 {offsets = [0, 256], sizes = [256, 128], strides = [1, 1]} : vector<256x1024xf32> to vector<256x128xf32>
    %get3A_40 = arith.constant 0 : index
    %get3A_41 = arith.constant 2 : index
    %get3A_42 = arith.constant 0 : index
    %get3A_43 = arith.constant 0 : index
    %get3A_44 = vector.load %arg3[%get3A_40, %get3A_41, %get3A_42, %get3A_43] : memref<1x8x4096x128xf32, #tpu.memory_space<vmem>>, vector<1x1x4096x128xf32>
    %get3A_45 = vector.shape_cast %get3A_44 : vector<1x1x4096x128xf32> to vector<4096x128xf32>
    %dot_general3A_46 = arith.constant dense<0.000000e+00> : vector<256x4096xf32>
    %dot_general3A_47 = tpu.matmul %slice3A_39, %get3A_45, %dot_general3A_46 {dimension_numbers = #tpu.dot_dimension_numbers<[1], [1], [0], [0], [0, 0, 1, 0], [], []>, transpose_lhs_hint = false} : vector<256x128xf32>, vector<4096x128xf32>, vector<256x4096xf32> -> vector<256x4096xf32>
    %get3A_48 = arith.constant 0 : index
    %get3A_49 = arith.constant 2 : index
    %get3A_50 = arith.constant 0 : index
    %get3A_51 = arith.constant 0 : index
    %get3A_52 = vector.load %arg4[%get3A_48, %get3A_49, %get3A_50, %get3A_51] : memref<1x8x1x4096xf32, #tpu.memory_space<vmem>>, vector<1x1x1x4096xf32>
    %get3A_53 = vector.shape_cast %get3A_52 : vector<1x1x1x4096xf32> to vector<1x4096xf32>
    %add3A_54 = vector.broadcast %get3A_53 : vector<1x4096xf32> to vector<256x4096xf32>
    %add3A_55 = arith.addf %dot_general3A_47, %add3A_54 : vector<256x4096xf32>
    %argmin3A_56 = tpu.reduce_index %add3A_55 {axis = 1 : i32, kind = #tpu.reduction_kind<arg_min>} : vector<256x4096xf32> -> vector<256xi32>
    %reshape3A_57 = vector.shape_cast %argmin3A_56 : vector<256xi32> to vector<256x1xi32>
    %slice3A_58 = vector.extract_strided_slice %div3A_5 {offsets = [0, 384], sizes = [256, 128], strides = [1, 1]} : vector<256x1024xf32> to vector<256x128xf32>
    %get3A_59 = arith.constant 0 : index
    %get3A_60 = arith.constant 3 : index
    %get3A_61 = arith.constant 0 : index
    %get3A_62 = arith.constant 0 : index
    %get3A_63 = vector.load %arg3[%get3A_59, %get3A_60, %get3A_61, %get3A_62] : memref<1x8x4096x128xf32, #tpu.memory_space<vmem>>, vector<1x1x4096x128xf32>
    %get3A_64 = vector.shape_cast %get3A_63 : vector<1x1x4096x128xf32> to vector<4096x128xf32>
    %dot_general3A_65 = arith.constant dense<0.000000e+00> : vector<256x4096xf32>
    %dot_general3A_66 = tpu.matmul %slice3A_58, %get3A_64, %dot_general3A_65 {dimension_numbers = #tpu.dot_dimension_numbers<[1], [1], [0], [0], [0, 0, 1, 0], [], []>, transpose_lhs_hint = false} : vector<256x128xf32>, vector<4096x128xf32>, vector<256x4096xf32> -> vector<256x4096xf32>
    %get3A_67 = arith.constant 0 : index
    %get3A_68 = arith.constant 3 : index
    %get3A_69 = arith.constant 0 : index
    %get3A_70 = arith.constant 0 : index
    %get3A_71 = vector.load %arg4[%get3A_67, %get3A_68, %get3A_69, %get3A_70] : memref<1x8x1x4096xf32, #tpu.memory_space<vmem>>, vector<1x1x1x4096xf32>
    %get3A_72 = vector.shape_cast %get3A_71 : vector<1x1x1x4096xf32> to vector<1x4096xf32>
    %add3A_73 = vector.broadcast %get3A_72 : vector<1x4096xf32> to vector<256x4096xf32>
    %add3A_74 = arith.addf %dot_general3A_66, %add3A_73 : vector<256x4096xf32>
    %argmin3A_75 = tpu.reduce_index %add3A_74 {axis = 1 : i32, kind = #tpu.reduction_kind<arg_min>} : vector<256x4096xf32> -> vector<256xi32>
    %reshape3A_76 = vector.shape_cast %argmin3A_75 : vector<256xi32> to vector<256x1xi32>
    %slice3A_77 = vector.extract_strided_slice %div3A_5 {offsets = [0, 512], sizes = [256, 128], strides = [1, 1]} : vector<256x1024xf32> to vector<256x128xf32>
    %get3A_78 = arith.constant 0 : index
    %get3A_79 = arith.constant 4 : index
    %get3A_80 = arith.constant 0 : index
    %get3A_81 = arith.constant 0 : index
    %get3A_82 = vector.load %arg3[%get3A_78, %get3A_79, %get3A_80, %get3A_81] : memref<1x8x4096x128xf32, #tpu.memory_space<vmem>>, vector<1x1x4096x128xf32>
    %get3A_83 = vector.shape_cast %get3A_82 : vector<1x1x4096x128xf32> to vector<4096x128xf32>
    %dot_general3A_84 = arith.constant dense<0.000000e+00> : vector<256x4096xf32>
    %dot_general3A_85 = tpu.matmul %slice3A_77, %get3A_83, %dot_general3A_84 {dimension_numbers = #tpu.dot_dimension_numbers<[1], [1], [0], [0], [0, 0, 1, 0], [], []>, transpose_lhs_hint = false} : vector<256x128xf32>, vector<4096x128xf32>, vector<256x4096xf32> -> vector<256x4096xf32>
    %get3A_86 = arith.constant 0 : index
    %get3A_87 = arith.constant 4 : index
    %get3A_88 = arith.constant 0 : index
    %get3A_89 = arith.constant 0 : index
    %get3A_90 = vector.load %arg4[%get3A_86, %get3A_87, %get3A_88, %get3A_89] : memref<1x8x1x4096xf32, #tpu.memory_space<vmem>>, vector<1x1x1x4096xf32>
    %get3A_91 = vector.shape_cast %get3A_90 : vector<1x1x1x4096xf32> to vector<1x4096xf32>
    %add3A_92 = vector.broadcast %get3A_91 : vector<1x4096xf32> to vector<256x4096xf32>
    %add3A_93 = arith.addf %dot_general3A_85, %add3A_92 : vector<256x4096xf32>
    %argmin3A_94 = tpu.reduce_index %add3A_93 {axis = 1 : i32, kind = #tpu.reduction_kind<arg_min>} : vector<256x4096xf32> -> vector<256xi32>
    %reshape3A_95 = vector.shape_cast %argmin3A_94 : vector<256xi32> to vector<256x1xi32>
    %slice3A_96 = vector.extract_strided_slice %div3A_5 {offsets = [0, 640], sizes = [256, 128], strides = [1, 1]} : vector<256x1024xf32> to vector<256x128xf32>
    %get3A_97 = arith.constant 0 : index
    %get3A_98 = arith.constant 5 : index
    %get3A_99 = arith.constant 0 : index
    %get3A_100 = arith.constant 0 : index
    %get3A_101 = vector.load %arg3[%get3A_97, %get3A_98, %get3A_99, %get3A_100] : memref<1x8x4096x128xf32, #tpu.memory_space<vmem>>, vector<1x1x4096x128xf32>
    %get3A_102 = vector.shape_cast %get3A_101 : vector<1x1x4096x128xf32> to vector<4096x128xf32>
    %dot_general3A_103 = arith.constant dense<0.000000e+00> : vector<256x4096xf32>
    %dot_general3A_104 = tpu.matmul %slice3A_96, %get3A_102, %dot_general3A_103 {dimension_numbers = #tpu.dot_dimension_numbers<[1], [1], [0], [0], [0, 0, 1, 0], [], []>, transpose_lhs_hint = false} : vector<256x128xf32>, vector<4096x128xf32>, vector<256x4096xf32> -> vector<256x4096xf32>
    %get3A_105 = arith.constant 0 : index
    %get3A_106 = arith.constant 5 : index
    %get3A_107 = arith.constant 0 : index
    %get3A_108 = arith.constant 0 : index
    %get3A_109 = vector.load %arg4[%get3A_105, %get3A_106, %get3A_107, %get3A_108] : memref<1x8x1x4096xf32, #tpu.memory_space<vmem>>, vector<1x1x1x4096xf32>
    %get3A_110 = vector.shape_cast %get3A_109 : vector<1x1x1x4096xf32> to vector<1x4096xf32>
    %add3A_111 = vector.broadcast %get3A_110 : vector<1x4096xf32> to vector<256x4096xf32>
    %add3A_112 = arith.addf %dot_general3A_104, %add3A_111 : vector<256x4096xf32>
    %argmin3A_113 = tpu.reduce_index %add3A_112 {axis = 1 : i32, kind = #tpu.reduction_kind<arg_min>} : vector<256x4096xf32> -> vector<256xi32>
    %reshape3A_114 = vector.shape_cast %argmin3A_113 : vector<256xi32> to vector<256x1xi32>
    %slice3A_115 = vector.extract_strided_slice %div3A_5 {offsets = [0, 768], sizes = [256, 128], strides = [1, 1]} : vector<256x1024xf32> to vector<256x128xf32>
    %get3A_116 = arith.constant 0 : index
    %get3A_117 = arith.constant 6 : index
    %get3A_118 = arith.constant 0 : index
    %get3A_119 = arith.constant 0 : index
    %get3A_120 = vector.load %arg3[%get3A_116, %get3A_117, %get3A_118, %get3A_119] : memref<1x8x4096x128xf32, #tpu.memory_space<vmem>>, vector<1x1x4096x128xf32>
    %get3A_121 = vector.shape_cast %get3A_120 : vector<1x1x4096x128xf32> to vector<4096x128xf32>
    %dot_general3A_122 = arith.constant dense<0.000000e+00> : vector<256x4096xf32>
    %dot_general3A_123 = tpu.matmul %slice3A_115, %get3A_121, %dot_general3A_122 {dimension_numbers = #tpu.dot_dimension_numbers<[1], [1], [0], [0], [0, 0, 1, 0], [], []>, transpose_lhs_hint = false} : vector<256x128xf32>, vector<4096x128xf32>, vector<256x4096xf32> -> vector<256x4096xf32>
    %get3A_124 = arith.constant 0 : index
    %get3A_125 = arith.constant 6 : index
    %get3A_126 = arith.constant 0 : index
    %get3A_127 = arith.constant 0 : index
    %get3A_128 = vector.load %arg4[%get3A_124, %get3A_125, %get3A_126, %get3A_127] : memref<1x8x1x4096xf32, #tpu.memory_space<vmem>>, vector<1x1x1x4096xf32>
    %get3A_129 = vector.shape_cast %get3A_128 : vector<1x1x1x4096xf32> to vector<1x4096xf32>
    %add3A_130 = vector.broadcast %get3A_129 : vector<1x4096xf32> to vector<256x4096xf32>
    %add3A_131 = arith.addf %dot_general3A_123, %add3A_130 : vector<256x4096xf32>
    %argmin3A_132 = tpu.reduce_index %add3A_131 {axis = 1 : i32, kind = #tpu.reduction_kind<arg_min>} : vector<256x4096xf32> -> vector<256xi32>
    %reshape3A_133 = vector.shape_cast %argmin3A_132 : vector<256xi32> to vector<256x1xi32>
    %slice3A_134 = vector.extract_strided_slice %div3A_5 {offsets = [0, 896], sizes = [256, 128], strides = [1, 1]} : vector<256x1024xf32> to vector<256x128xf32>
    %get3A_135 = arith.constant 0 : index
    %get3A_136 = arith.constant 7 : index
    %get3A_137 = arith.constant 0 : index
    %get3A_138 = arith.constant 0 : index
    %get3A_139 = vector.load %arg3[%get3A_135, %get3A_136, %get3A_137, %get3A_138] : memref<1x8x4096x128xf32, #tpu.memory_space<vmem>>, vector<1x1x4096x128xf32>
    %get3A_140 = vector.shape_cast %get3A_139 : vector<1x1x4096x128xf32> to vector<4096x128xf32>
    %dot_general3A_141 = arith.constant dense<0.000000e+00> : vector<256x4096xf32>
    %dot_general3A_142 = tpu.matmul %slice3A_134, %get3A_140, %dot_general3A_141 {dimension_numbers = #tpu.dot_dimension_numbers<[1], [1], [0], [0], [0, 0, 1, 0], [], []>, transpose_lhs_hint = false} : vector<256x128xf32>, vector<4096x128xf32>, vector<256x4096xf32> -> vector<256x4096xf32>
    %get3A_143 = arith.constant 0 : index
    %get3A_144 = arith.constant 7 : index
    %get3A_145 = arith.constant 0 : index
    %get3A_146 = arith.constant 0 : index
    %get3A_147 = vector.load %arg4[%get3A_143, %get3A_144, %get3A_145, %get3A_146] : memref<1x8x1x4096xf32, #tpu.memory_space<vmem>>, vector<1x1x1x4096xf32>
    %get3A_148 = vector.shape_cast %get3A_147 : vector<1x1x1x4096xf32> to vector<1x4096xf32>
    %add3A_149 = vector.broadcast %get3A_148 : vector<1x4096xf32> to vector<256x4096xf32>
    %add3A_150 = arith.addf %dot_general3A_142, %add3A_149 : vector<256x4096xf32>
    %argmin3A_151 = tpu.reduce_index %add3A_150 {axis = 1 : i32, kind = #tpu.reduction_kind<arg_min>} : vector<256x4096xf32> -> vector<256xi32>
    %reshape3A_152 = vector.shape_cast %argmin3A_151 : vector<256xi32> to vector<256x1xi32>
    %concatenate3A = tpu.concatenate %reshape3A, %reshape3A_38, %reshape3A_57, %reshape3A_76, %reshape3A_95, %reshape3A_114, %reshape3A_133, %reshape3A_152 in 1 : vector<256x1xi32>, vector<256x1xi32>, vector<256x1xi32>, vector<256x1xi32>, vector<256x1xi32>, vector<256x1xi32>, vector<256x1xi32>, vector<256x1xi32> -> vector<256x8xi32>
    %transpose3A = tpu.transpose %concatenate3A, [1, 0] : vector<256x8xi32> -> vector<8x256xi32>
    %swap3A = arith.constant 0 : index
    %swap3A_153 = arith.constant 0 : index
    %swap3A_154 = vector.load %arg5[%swap3A, %swap3A_153] : memref<8x256xi32, #tpu.memory_space<vmem>>, vector<8x256xi32>
    tpu.vector_store %arg5[%swap3A, %swap3A_153], %transpose3A {strides = array<i32>} : memref<8x256xi32, #tpu.memory_space<vmem>>, vector<8x256xi32>,
    return
  }
  func.func @transform_0(%arg0: i32) -> (i32, i32) {
    %c0_i32 = arith.constant 0 : i32
    %c0_i32_0 = arith.constant 0 : i32
    return %arg0, %c0_i32 : i32, i32
  }
  func.func @transform_1(%arg0: i32) -> (i32, i32) {
    %c0_i32 = arith.constant 0 : i32
    %c0_i32_0 = arith.constant 0 : i32
    return %arg0, %c0_i32 : i32, i32
  }
  func.func @transform_2(%arg0: i32) -> (i32, i32, i32, i32) {
    %c0_i32 = arith.constant 0 : i32
    %c0_i32_0 = arith.constant 0 : i32
    %c0_i32_1 = arith.constant 0 : i32
    %c0_i32_2 = arith.constant 0 : i32
    %c0_i32_3 = arith.constant 0 : i32
    return %c0_i32, %c0_i32_0, %c0_i32_1, %c0_i32_2 : i32, i32, i32, i32
  }
  func.func @transform_3(%arg0: i32) -> (i32, i32, i32, i32) {
    %c0_i32 = arith.constant 0 : i32
    %c0_i32_0 = arith.constant 0 : i32
    %c0_i32_1 = arith.constant 0 : i32
    %c0_i32_2 = arith.constant 0 : i32
    %c0_i32_3 = arith.constant 0 : i32
    return %c0_i32, %c0_i32_0, %c0_i32_1, %c0_i32_2 : i32, i32, i32, i32
  }
  func.func @transform_4(%arg0: i32) -> (i32, i32) {
    %c0_i32 = arith.constant 0 : i32
    %c0_i32_0 = arith.constant 0 : i32
    return %c0_i32, %arg0 : i32, i32
  }
}

module attributes {stable_mosaic.version = 14 : i64} {
  func.func @_lambda_(%arg0: i32, %arg1: memref<256x1024xf32, #tpu.memory_space<vmem>>, %arg2: memref<256x1xf32, #tpu.memory_space<vmem>>, %arg3: memref<1x8x4096x128xf32, #tpu.memory_space<vmem>>, %arg4: memref<1x8x1x4096xf32, #tpu.memory_space<vmem>>, %arg5: memref<8x256x128xf32, #tpu.memory_space<vmem>>, %arg6: memref<8x256xi32, #tpu.memory_space<vmem>>, %arg7: memref<2x8x256xi16, #tpu.memory_space<vmem>>) attributes {dimension_semantics = [#tpu.dimension_semantics<arbitrary>], iteration_bounds = array<i64: 8>, scalar_prefetch = 0 : i64, scratch_operands = 0 : i64, tpu.core_type = #tpu.core_type<tc>, window_params = [{transform_indices = @transform_0, window_bounds = array<i64: 256, 1024>}, {transform_indices = @transform_1, window_bounds = array<i64: 256, 1>}, {transform_indices = @transform_2, window_bounds = array<i64: 1, 8, 4096, 128>}, {transform_indices = @transform_3, window_bounds = array<i64: 1, 8, 1, 4096>}, {transform_indices = @transform_4, window_bounds = array<i64: 8, 256, 128>}, {transform_indices = @transform_5, window_bounds = array<i64: 8, 256>}, {transform_indices = @transform_6, window_bounds = array<i64: 2, 8, 256>}]} {
    %get3A = arith.constant 0 : index
    %get3A_0 = arith.constant 0 : index
    %get3A_1 = vector.load %arg1[%get3A, %get3A_0] : memref<256x1024xf32, #tpu.memory_space<vmem>>, vector<256x1024xf32>
    %get3A_2 = arith.constant 0 : index
    %get3A_3 = arith.constant 0 : index
    %get3A_4 = vector.load %arg2[%get3A_2, %get3A_3] : memref<256x1xf32, #tpu.memory_space<vmem>>, vector<256x1xf32>
    %div3A = vector.broadcast %get3A_4 : vector<256x1xf32> to vector<256x1024xf32>
    %div3A_5 = arith.divf %get3A_1, %div3A : vector<256x1024xf32>
    %slice3A = vector.extract_strided_slice %div3A_5 {offsets = [0, 0], sizes = [256, 128], strides = [1, 1]} : vector<256x1024xf32> to vector<256x128xf32>
    %get3A_6 = arith.constant 0 : index
    %get3A_7 = arith.constant 0 : index
    %get3A_8 = arith.constant 0 : index
    %get3A_9 = vector.load %arg5[%get3A_6, %get3A_7, %get3A_8] : memref<8x256x128xf32, #tpu.memory_space<vmem>>, vector<1x256x128xf32>
    %get3A_10 = vector.shape_cast %get3A_9 : vector<1x256x128xf32> to vector<256x128xf32>
    %mul3A = arith.constant 2.000000e+00 : f32
    %mul3A_11 = vector.broadcast %mul3A : f32 to vector<256x128xf32>
    %mul3A_12 = arith.mulf %mul3A_11, %get3A_10 : vector<256x128xf32>
    %add3A = arith.addf %slice3A, %mul3A_12 : vector<256x128xf32>
    %get3A_13 = arith.constant 0 : index
    %get3A_14 = arith.constant 0 : index
    %get3A_15 = arith.constant 0 : index
    %get3A_16 = arith.constant 0 : index
    %get3A_17 = vector.load %arg3[%get3A_13, %get3A_14, %get3A_15, %get3A_16] : memref<1x8x4096x128xf32, #tpu.memory_space<vmem>>, vector<1x1x4096x128xf32>
    %get3A_18 = vector.shape_cast %get3A_17 : vector<1x1x4096x128xf32> to vector<4096x128xf32>
    %dot_general3A = arith.constant dense<0.000000e+00> : vector<256x4096xf32>
    %dot_general3A_19 = tpu.matmul %add3A, %get3A_18, %dot_general3A {dimension_numbers = #tpu.dot_dimension_numbers<[1], [1], [0], [0], [0, 0, 1, 0], [], []>, transpose_lhs_hint = false} : vector<256x128xf32>, vector<4096x128xf32>, vector<256x4096xf32> -> vector<256x4096xf32>
    %get3A_20 = arith.constant 0 : index
    %get3A_21 = arith.constant 0 : index
    %get3A_22 = arith.constant 0 : index
    %get3A_23 = arith.constant 0 : index
    %get3A_24 = vector.load %arg4[%get3A_20, %get3A_21, %get3A_22, %get3A_23] : memref<1x8x1x4096xf32, #tpu.memory_space<vmem>>, vector<1x1x1x4096xf32>
    %get3A_25 = vector.shape_cast %get3A_24 : vector<1x1x1x4096xf32> to vector<1x4096xf32>
    %add3A_26 = vector.broadcast %get3A_25 : vector<1x4096xf32> to vector<256x4096xf32>
    %add3A_27 = arith.addf %dot_general3A_19, %add3A_26 : vector<256x4096xf32>
    %argmin3A = tpu.reduce_index %add3A_27 {axis = 1 : i32, kind = #tpu.reduction_kind<arg_min>} : vector<256x4096xf32> -> vector<256xi32>
    %reshape3A = vector.shape_cast %argmin3A : vector<256xi32> to vector<256x1xi32>
    %slice3A_28 = vector.extract_strided_slice %div3A_5 {offsets = [0, 128], sizes = [256, 128], strides = [1, 1]} : vector<256x1024xf32> to vector<256x128xf32>
    %get3A_29 = arith.constant 1 : index
    %get3A_30 = arith.constant 0 : index
    %get3A_31 = arith.constant 0 : index
    %get3A_32 = vector.load %arg5[%get3A_29, %get3A_30, %get3A_31] : memref<8x256x128xf32, #tpu.memory_space<vmem>>, vector<1x256x128xf32>
    %get3A_33 = vector.shape_cast %get3A_32 : vector<1x256x128xf32> to vector<256x128xf32>
    %mul3A_34 = arith.constant 2.000000e+00 : f32
    %mul3A_35 = vector.broadcast %mul3A_34 : f32 to vector<256x128xf32>
    %mul3A_36 = arith.mulf %mul3A_35, %get3A_33 : vector<256x128xf32>
    %add3A_37 = arith.addf %slice3A_28, %mul3A_36 : vector<256x128xf32>
    %get3A_38 = arith.constant 0 : index
    %get3A_39 = arith.constant 1 : index
    %get3A_40 = arith.constant 0 : index
    %get3A_41 = arith.constant 0 : index
    %get3A_42 = vector.load %arg3[%get3A_38, %get3A_39, %get3A_40, %get3A_41] : memref<1x8x4096x128xf32, #tpu.memory_space<vmem>>, vector<1x1x4096x128xf32>
    %get3A_43 = vector.shape_cast %get3A_42 : vector<1x1x4096x128xf32> to vector<4096x128xf32>
    %dot_general3A_44 = arith.constant dense<0.000000e+00> : vector<256x4096xf32>
    %dot_general3A_45 = tpu.matmul %add3A_37, %get3A_43, %dot_general3A_44 {dimension_numbers = #tpu.dot_dimension_numbers<[1], [1], [0], [0], [0, 0, 1, 0], [], []>, transpose_lhs_hint = false} : vector<256x128xf32>, vector<4096x128xf32>, vector<256x4096xf32> -> vector<256x4096xf32>
    %get3A_46 = arith.constant 0 : index
    %get3A_47 = arith.constant 1 : index
    %get3A_48 = arith.constant 0 : index
    %get3A_49 = arith.constant 0 : index
    %get3A_50 = vector.load %arg4[%get3A_46, %get3A_47, %get3A_48, %get3A_49] : memref<1x8x1x4096xf32, #tpu.memory_space<vmem>>, vector<1x1x1x4096xf32>
    %get3A_51 = vector.shape_cast %get3A_50 : vector<1x1x1x4096xf32> to vector<1x4096xf32>
    %add3A_52 = vector.broadcast %get3A_51 : vector<1x4096xf32> to vector<256x4096xf32>
    %add3A_53 = arith.addf %dot_general3A_45, %add3A_52 : vector<256x4096xf32>
    %argmin3A_54 = tpu.reduce_index %add3A_53 {axis = 1 : i32, kind = #tpu.reduction_kind<arg_min>} : vector<256x4096xf32> -> vector<256xi32>
    %reshape3A_55 = vector.shape_cast %argmin3A_54 : vector<256xi32> to vector<256x1xi32>
    %slice3A_56 = vector.extract_strided_slice %div3A_5 {offsets = [0, 256], sizes = [256, 128], strides = [1, 1]} : vector<256x1024xf32> to vector<256x128xf32>
    %get3A_57 = arith.constant 2 : index
    %get3A_58 = arith.constant 0 : index
    %get3A_59 = arith.constant 0 : index
    %get3A_60 = vector.load %arg5[%get3A_57, %get3A_58, %get3A_59] : memref<8x256x128xf32, #tpu.memory_space<vmem>>, vector<1x256x128xf32>
    %get3A_61 = vector.shape_cast %get3A_60 : vector<1x256x128xf32> to vector<256x128xf32>
    %mul3A_62 = arith.constant 2.000000e+00 : f32
    %mul3A_63 = vector.broadcast %mul3A_62 : f32 to vector<256x128xf32>
    %mul3A_64 = arith.mulf %mul3A_63, %get3A_61 : vector<256x128xf32>
    %add3A_65 = arith.addf %slice3A_56, %mul3A_64 : vector<256x128xf32>
    %get3A_66 = arith.constant 0 : index
    %get3A_67 = arith.constant 2 : index
    %get3A_68 = arith.constant 0 : index
    %get3A_69 = arith.constant 0 : index
    %get3A_70 = vector.load %arg3[%get3A_66, %get3A_67, %get3A_68, %get3A_69] : memref<1x8x4096x128xf32, #tpu.memory_space<vmem>>, vector<1x1x4096x128xf32>
    %get3A_71 = vector.shape_cast %get3A_70 : vector<1x1x4096x128xf32> to vector<4096x128xf32>
    %dot_general3A_72 = arith.constant dense<0.000000e+00> : vector<256x4096xf32>
    %dot_general3A_73 = tpu.matmul %add3A_65, %get3A_71, %dot_general3A_72 {dimension_numbers = #tpu.dot_dimension_numbers<[1], [1], [0], [0], [0, 0, 1, 0], [], []>, transpose_lhs_hint = false} : vector<256x128xf32>, vector<4096x128xf32>, vector<256x4096xf32> -> vector<256x4096xf32>
    %get3A_74 = arith.constant 0 : index
    %get3A_75 = arith.constant 2 : index
    %get3A_76 = arith.constant 0 : index
    %get3A_77 = arith.constant 0 : index
    %get3A_78 = vector.load %arg4[%get3A_74, %get3A_75, %get3A_76, %get3A_77] : memref<1x8x1x4096xf32, #tpu.memory_space<vmem>>, vector<1x1x1x4096xf32>
    %get3A_79 = vector.shape_cast %get3A_78 : vector<1x1x1x4096xf32> to vector<1x4096xf32>
    %add3A_80 = vector.broadcast %get3A_79 : vector<1x4096xf32> to vector<256x4096xf32>
    %add3A_81 = arith.addf %dot_general3A_73, %add3A_80 : vector<256x4096xf32>
    %argmin3A_82 = tpu.reduce_index %add3A_81 {axis = 1 : i32, kind = #tpu.reduction_kind<arg_min>} : vector<256x4096xf32> -> vector<256xi32>
    %reshape3A_83 = vector.shape_cast %argmin3A_82 : vector<256xi32> to vector<256x1xi32>
    %slice3A_84 = vector.extract_strided_slice %div3A_5 {offsets = [0, 384], sizes = [256, 128], strides = [1, 1]} : vector<256x1024xf32> to vector<256x128xf32>
    %get3A_85 = arith.constant 3 : index
    %get3A_86 = arith.constant 0 : index
    %get3A_87 = arith.constant 0 : index
    %get3A_88 = vector.load %arg5[%get3A_85, %get3A_86, %get3A_87] : memref<8x256x128xf32, #tpu.memory_space<vmem>>, vector<1x256x128xf32>
    %get3A_89 = vector.shape_cast %get3A_88 : vector<1x256x128xf32> to vector<256x128xf32>
    %mul3A_90 = arith.constant 2.000000e+00 : f32
    %mul3A_91 = vector.broadcast %mul3A_90 : f32 to vector<256x128xf32>
    %mul3A_92 = arith.mulf %mul3A_91, %get3A_89 : vector<256x128xf32>
    %add3A_93 = arith.addf %slice3A_84, %mul3A_92 : vector<256x128xf32>
    %get3A_94 = arith.constant 0 : index
    %get3A_95 = arith.constant 3 : index
    %get3A_96 = arith.constant 0 : index
    %get3A_97 = arith.constant 0 : index
    %get3A_98 = vector.load %arg3[%get3A_94, %get3A_95, %get3A_96, %get3A_97] : memref<1x8x4096x128xf32, #tpu.memory_space<vmem>>, vector<1x1x4096x128xf32>
    %get3A_99 = vector.shape_cast %get3A_98 : vector<1x1x4096x128xf32> to vector<4096x128xf32>
    %dot_general3A_100 = arith.constant dense<0.000000e+00> : vector<256x4096xf32>
    %dot_general3A_101 = tpu.matmul %add3A_93, %get3A_99, %dot_general3A_100 {dimension_numbers = #tpu.dot_dimension_numbers<[1], [1], [0], [0], [0, 0, 1, 0], [], []>, transpose_lhs_hint = false} : vector<256x128xf32>, vector<4096x128xf32>, vector<256x4096xf32> -> vector<256x4096xf32>
    %get3A_102 = arith.constant 0 : index
    %get3A_103 = arith.constant 3 : index
    %get3A_104 = arith.constant 0 : index
    %get3A_105 = arith.constant 0 : index
    %get3A_106 = vector.load %arg4[%get3A_102, %get3A_103, %get3A_104, %get3A_105] : memref<1x8x1x4096xf32, #tpu.memory_space<vmem>>, vector<1x1x1x4096xf32>
    %get3A_107 = vector.shape_cast %get3A_106 : vector<1x1x1x4096xf32> to vector<1x4096xf32>
    %add3A_108 = vector.broadcast %get3A_107 : vector<1x4096xf32> to vector<256x4096xf32>
    %add3A_109 = arith.addf %dot_general3A_101, %add3A_108 : vector<256x4096xf32>
    %argmin3A_110 = tpu.reduce_index %add3A_109 {axis = 1 : i32, kind = #tpu.reduction_kind<arg_min>} : vector<256x4096xf32> -> vector<256xi32>
    %reshape3A_111 = vector.shape_cast %argmin3A_110 : vector<256xi32> to vector<256x1xi32>
    %slice3A_112 = vector.extract_strided_slice %div3A_5 {offsets = [0, 512], sizes = [256, 128], strides = [1, 1]} : vector<256x1024xf32> to vector<256x128xf32>
    %get3A_113 = arith.constant 4 : index
    %get3A_114 = arith.constant 0 : index
    %get3A_115 = arith.constant 0 : index
    %get3A_116 = vector.load %arg5[%get3A_113, %get3A_114, %get3A_115] : memref<8x256x128xf32, #tpu.memory_space<vmem>>, vector<1x256x128xf32>
    %get3A_117 = vector.shape_cast %get3A_116 : vector<1x256x128xf32> to vector<256x128xf32>
    %mul3A_118 = arith.constant 2.000000e+00 : f32
    %mul3A_119 = vector.broadcast %mul3A_118 : f32 to vector<256x128xf32>
    %mul3A_120 = arith.mulf %mul3A_119, %get3A_117 : vector<256x128xf32>
    %add3A_121 = arith.addf %slice3A_112, %mul3A_120 : vector<256x128xf32>
    %get3A_122 = arith.constant 0 : index
    %get3A_123 = arith.constant 4 : index
    %get3A_124 = arith.constant 0 : index
    %get3A_125 = arith.constant 0 : index
    %get3A_126 = vector.load %arg3[%get3A_122, %get3A_123, %get3A_124, %get3A_125] : memref<1x8x4096x128xf32, #tpu.memory_space<vmem>>, vector<1x1x4096x128xf32>
    %get3A_127 = vector.shape_cast %get3A_126 : vector<1x1x4096x128xf32> to vector<4096x128xf32>
    %dot_general3A_128 = arith.constant dense<0.000000e+00> : vector<256x4096xf32>
    %dot_general3A_129 = tpu.matmul %add3A_121, %get3A_127, %dot_general3A_128 {dimension_numbers = #tpu.dot_dimension_numbers<[1], [1], [0], [0], [0, 0, 1, 0], [], []>, transpose_lhs_hint = false} : vector<256x128xf32>, vector<4096x128xf32>, vector<256x4096xf32> -> vector<256x4096xf32>
    %get3A_130 = arith.constant 0 : index
    %get3A_131 = arith.constant 4 : index
    %get3A_132 = arith.constant 0 : index
    %get3A_133 = arith.constant 0 : index
    %get3A_134 = vector.load %arg4[%get3A_130, %get3A_131, %get3A_132, %get3A_133] : memref<1x8x1x4096xf32, #tpu.memory_space<vmem>>, vector<1x1x1x4096xf32>
    %get3A_135 = vector.shape_cast %get3A_134 : vector<1x1x1x4096xf32> to vector<1x4096xf32>
    %add3A_136 = vector.broadcast %get3A_135 : vector<1x4096xf32> to vector<256x4096xf32>
    %add3A_137 = arith.addf %dot_general3A_129, %add3A_136 : vector<256x4096xf32>
    %argmin3A_138 = tpu.reduce_index %add3A_137 {axis = 1 : i32, kind = #tpu.reduction_kind<arg_min>} : vector<256x4096xf32> -> vector<256xi32>
    %reshape3A_139 = vector.shape_cast %argmin3A_138 : vector<256xi32> to vector<256x1xi32>
    %slice3A_140 = vector.extract_strided_slice %div3A_5 {offsets = [0, 640], sizes = [256, 128], strides = [1, 1]} : vector<256x1024xf32> to vector<256x128xf32>
    %get3A_141 = arith.constant 5 : index
    %get3A_142 = arith.constant 0 : index
    %get3A_143 = arith.constant 0 : index
    %get3A_144 = vector.load %arg5[%get3A_141, %get3A_142, %get3A_143] : memref<8x256x128xf32, #tpu.memory_space<vmem>>, vector<1x256x128xf32>
    %get3A_145 = vector.shape_cast %get3A_144 : vector<1x256x128xf32> to vector<256x128xf32>
    %mul3A_146 = arith.constant 2.000000e+00 : f32
    %mul3A_147 = vector.broadcast %mul3A_146 : f32 to vector<256x128xf32>
    %mul3A_148 = arith.mulf %mul3A_147, %get3A_145 : vector<256x128xf32>
    %add3A_149 = arith.addf %slice3A_140, %mul3A_148 : vector<256x128xf32>
    %get3A_150 = arith.constant 0 : index
    %get3A_151 = arith.constant 5 : index
    %get3A_152 = arith.constant 0 : index
    %get3A_153 = arith.constant 0 : index
    %get3A_154 = vector.load %arg3[%get3A_150, %get3A_151, %get3A_152, %get3A_153] : memref<1x8x4096x128xf32, #tpu.memory_space<vmem>>, vector<1x1x4096x128xf32>
    %get3A_155 = vector.shape_cast %get3A_154 : vector<1x1x4096x128xf32> to vector<4096x128xf32>
    %dot_general3A_156 = arith.constant dense<0.000000e+00> : vector<256x4096xf32>
    %dot_general3A_157 = tpu.matmul %add3A_149, %get3A_155, %dot_general3A_156 {dimension_numbers = #tpu.dot_dimension_numbers<[1], [1], [0], [0], [0, 0, 1, 0], [], []>, transpose_lhs_hint = false} : vector<256x128xf32>, vector<4096x128xf32>, vector<256x4096xf32> -> vector<256x4096xf32>
    %get3A_158 = arith.constant 0 : index
    %get3A_159 = arith.constant 5 : index
    %get3A_160 = arith.constant 0 : index
    %get3A_161 = arith.constant 0 : index
    %get3A_162 = vector.load %arg4[%get3A_158, %get3A_159, %get3A_160, %get3A_161] : memref<1x8x1x4096xf32, #tpu.memory_space<vmem>>, vector<1x1x1x4096xf32>
    %get3A_163 = vector.shape_cast %get3A_162 : vector<1x1x1x4096xf32> to vector<1x4096xf32>
    %add3A_164 = vector.broadcast %get3A_163 : vector<1x4096xf32> to vector<256x4096xf32>
    %add3A_165 = arith.addf %dot_general3A_157, %add3A_164 : vector<256x4096xf32>
    %argmin3A_166 = tpu.reduce_index %add3A_165 {axis = 1 : i32, kind = #tpu.reduction_kind<arg_min>} : vector<256x4096xf32> -> vector<256xi32>
    %reshape3A_167 = vector.shape_cast %argmin3A_166 : vector<256xi32> to vector<256x1xi32>
    %slice3A_168 = vector.extract_strided_slice %div3A_5 {offsets = [0, 768], sizes = [256, 128], strides = [1, 1]} : vector<256x1024xf32> to vector<256x128xf32>
    %get3A_169 = arith.constant 6 : index
    %get3A_170 = arith.constant 0 : index
    %get3A_171 = arith.constant 0 : index
    %get3A_172 = vector.load %arg5[%get3A_169, %get3A_170, %get3A_171] : memref<8x256x128xf32, #tpu.memory_space<vmem>>, vector<1x256x128xf32>
    %get3A_173 = vector.shape_cast %get3A_172 : vector<1x256x128xf32> to vector<256x128xf32>
    %mul3A_174 = arith.constant 2.000000e+00 : f32
    %mul3A_175 = vector.broadcast %mul3A_174 : f32 to vector<256x128xf32>
    %mul3A_176 = arith.mulf %mul3A_175, %get3A_173 : vector<256x128xf32>
    %add3A_177 = arith.addf %slice3A_168, %mul3A_176 : vector<256x128xf32>
    %get3A_178 = arith.constant 0 : index
    %get3A_179 = arith.constant 6 : index
    %get3A_180 = arith.constant 0 : index
    %get3A_181 = arith.constant 0 : index
    %get3A_182 = vector.load %arg3[%get3A_178, %get3A_179, %get3A_180, %get3A_181] : memref<1x8x4096x128xf32, #tpu.memory_space<vmem>>, vector<1x1x4096x128xf32>
    %get3A_183 = vector.shape_cast %get3A_182 : vector<1x1x4096x128xf32> to vector<4096x128xf32>
    %dot_general3A_184 = arith.constant dense<0.000000e+00> : vector<256x4096xf32>
    %dot_general3A_185 = tpu.matmul %add3A_177, %get3A_183, %dot_general3A_184 {dimension_numbers = #tpu.dot_dimension_numbers<[1], [1], [0], [0], [0, 0, 1, 0], [], []>, transpose_lhs_hint = false} : vector<256x128xf32>, vector<4096x128xf32>, vector<256x4096xf32> -> vector<256x4096xf32>
    %get3A_186 = arith.constant 0 : index
    %get3A_187 = arith.constant 6 : index
    %get3A_188 = arith.constant 0 : index
    %get3A_189 = arith.constant 0 : index
    %get3A_190 = vector.load %arg4[%get3A_186, %get3A_187, %get3A_188, %get3A_189] : memref<1x8x1x4096xf32, #tpu.memory_space<vmem>>, vector<1x1x1x4096xf32>
    %get3A_191 = vector.shape_cast %get3A_190 : vector<1x1x1x4096xf32> to vector<1x4096xf32>
    %add3A_192 = vector.broadcast %get3A_191 : vector<1x4096xf32> to vector<256x4096xf32>
    %add3A_193 = arith.addf %dot_general3A_185, %add3A_192 : vector<256x4096xf32>
    %argmin3A_194 = tpu.reduce_index %add3A_193 {axis = 1 : i32, kind = #tpu.reduction_kind<arg_min>} : vector<256x4096xf32> -> vector<256xi32>
    %reshape3A_195 = vector.shape_cast %argmin3A_194 : vector<256xi32> to vector<256x1xi32>
    %slice3A_196 = vector.extract_strided_slice %div3A_5 {offsets = [0, 896], sizes = [256, 128], strides = [1, 1]} : vector<256x1024xf32> to vector<256x128xf32>
    %get3A_197 = arith.constant 7 : index
    %get3A_198 = arith.constant 0 : index
    %get3A_199 = arith.constant 0 : index
    %get3A_200 = vector.load %arg5[%get3A_197, %get3A_198, %get3A_199] : memref<8x256x128xf32, #tpu.memory_space<vmem>>, vector<1x256x128xf32>
    %get3A_201 = vector.shape_cast %get3A_200 : vector<1x256x128xf32> to vector<256x128xf32>
    %mul3A_202 = arith.constant 2.000000e+00 : f32
    %mul3A_203 = vector.broadcast %mul3A_202 : f32 to vector<256x128xf32>
    %mul3A_204 = arith.mulf %mul3A_203, %get3A_201 : vector<256x128xf32>
    %add3A_205 = arith.addf %slice3A_196, %mul3A_204 : vector<256x128xf32>
    %get3A_206 = arith.constant 0 : index
    %get3A_207 = arith.constant 7 : index
    %get3A_208 = arith.constant 0 : index
    %get3A_209 = arith.constant 0 : index
    %get3A_210 = vector.load %arg3[%get3A_206, %get3A_207, %get3A_208, %get3A_209] : memref<1x8x4096x128xf32, #tpu.memory_space<vmem>>, vector<1x1x4096x128xf32>
    %get3A_211 = vector.shape_cast %get3A_210 : vector<1x1x4096x128xf32> to vector<4096x128xf32>
    %dot_general3A_212 = arith.constant dense<0.000000e+00> : vector<256x4096xf32>
    %dot_general3A_213 = tpu.matmul %add3A_205, %get3A_211, %dot_general3A_212 {dimension_numbers = #tpu.dot_dimension_numbers<[1], [1], [0], [0], [0, 0, 1, 0], [], []>, transpose_lhs_hint = false} : vector<256x128xf32>, vector<4096x128xf32>, vector<256x4096xf32> -> vector<256x4096xf32>
    %get3A_214 = arith.constant 0 : index
    %get3A_215 = arith.constant 7 : index
    %get3A_216 = arith.constant 0 : index
    %get3A_217 = arith.constant 0 : index
    %get3A_218 = vector.load %arg4[%get3A_214, %get3A_215, %get3A_216, %get3A_217] : memref<1x8x1x4096xf32, #tpu.memory_space<vmem>>, vector<1x1x1x4096xf32>
    %get3A_219 = vector.shape_cast %get3A_218 : vector<1x1x1x4096xf32> to vector<1x4096xf32>
    %add3A_220 = vector.broadcast %get3A_219 : vector<1x4096xf32> to vector<256x4096xf32>
    %add3A_221 = arith.addf %dot_general3A_213, %add3A_220 : vector<256x4096xf32>
    %argmin3A_222 = tpu.reduce_index %add3A_221 {axis = 1 : i32, kind = #tpu.reduction_kind<arg_min>} : vector<256x4096xf32> -> vector<256xi32>
    %reshape3A_223 = vector.shape_cast %argmin3A_222 : vector<256xi32> to vector<256x1xi32>
    %concatenate3A = tpu.concatenate %reshape3A, %reshape3A_55, %reshape3A_83, %reshape3A_111, %reshape3A_139, %reshape3A_167, %reshape3A_195, %reshape3A_223 in 1 : vector<256x1xi32>, vector<256x1xi32>, vector<256x1xi32>, vector<256x1xi32>, vector<256x1xi32>, vector<256x1xi32>, vector<256x1xi32>, vector<256x1xi32> -> vector<256x8xi32>
    %transpose3A = tpu.transpose %concatenate3A, [1, 0] : vector<256x8xi32> -> vector<8x256xi32>
    %get3A_224 = arith.constant 0 : index
    %get3A_225 = arith.constant 0 : index
    %get3A_226 = vector.load %arg6[%get3A_224, %get3A_225] : memref<8x256xi32, #tpu.memory_space<vmem>>, vector<8x256xi32>
    %stack3A = vector.shape_cast %get3A_226 : vector<8x256xi32> to vector<1x8x256xi32>
    %stack3A_227 = vector.shape_cast %transpose3A : vector<8x256xi32> to vector<1x8x256xi32>
    %stack3A_228 = tpu.concatenate %stack3A, %stack3A_227 in 0 : vector<1x8x256xi32>, vector<1x8x256xi32> -> vector<2x8x256xi32>
    %convert_element_type3A = arith.trunci %stack3A_228 : vector<2x8x256xi32> to vector<2x8x256xi16>
    %swap3A = arith.constant 0 : index
    %swap3A_229 = arith.constant 0 : index
    %swap3A_230 = arith.constant 0 : index
    %swap3A_231 = vector.load %arg7[%swap3A, %swap3A_229, %swap3A_230] : memref<2x8x256xi16, #tpu.memory_space<vmem>>, vector<2x8x256xi16>
    tpu.vector_store %arg7[%swap3A, %swap3A_229, %swap3A_230], %convert_element_type3A {strides = array<i32>} : memref<2x8x256xi16, #tpu.memory_space<vmem>>, vector<2x8x256xi16>,
    return
  }
  func.func @transform_0(%arg0: i32) -> (i32, i32) {
    %c0_i32 = arith.constant 0 : i32
    %c0_i32_0 = arith.constant 0 : i32
    return %arg0, %c0_i32 : i32, i32
  }
  func.func @transform_1(%arg0: i32) -> (i32, i32) {
    %c0_i32 = arith.constant 0 : i32
    %c0_i32_0 = arith.constant 0 : i32
    return %arg0, %c0_i32 : i32, i32
  }
  func.func @transform_2(%arg0: i32) -> (i32, i32, i32, i32) {
    %c1_i32 = arith.constant 1 : i32
    %c0_i32 = arith.constant 0 : i32
    %c0_i32_0 = arith.constant 0 : i32
    %c0_i32_1 = arith.constant 0 : i32
    %c0_i32_2 = arith.constant 0 : i32
    return %c1_i32, %c0_i32, %c0_i32_0, %c0_i32_1 : i32, i32, i32, i32
  }
  func.func @transform_3(%arg0: i32) -> (i32, i32, i32, i32) {
    %c1_i32 = arith.constant 1 : i32
    %c0_i32 = arith.constant 0 : i32
    %c0_i32_0 = arith.constant 0 : i32
    %c0_i32_1 = arith.constant 0 : i32
    %c0_i32_2 = arith.constant 0 : i32
    return %c1_i32, %c0_i32, %c0_i32_0, %c0_i32_1 : i32, i32, i32, i32
  }
  func.func @transform_4(%arg0: i32) -> (i32, i32, i32) {
    %c0_i32 = arith.constant 0 : i32
    %c0_i32_0 = arith.constant 0 : i32
    %c0_i32_1 = arith.constant 0 : i32
    return %c0_i32, %arg0, %c0_i32_0 : i32, i32, i32
  }
  func.func @transform_5(%arg0: i32) -> (i32, i32) {
    %c0_i32 = arith.constant 0 : i32
    %c0_i32_0 = arith.constant 0 : i32
    return %c0_i32, %arg0 : i32, i32
  }
  func.func @transform_6(%arg0: i32) -> (i32, i32, i32) {
    %c0_i32 = arith.constant 0 : i32
    %c0_i32_0 = arith.constant 0 : i32
    %c0_i32_1 = arith.constant 0 : i32
    return %c0_i32, %c0_i32_0, %arg0 : i32, i32, i32
  }
}

</mosaic_0001>

<sc_bundles>
// kernel: kernel.5.cloned.1.call-start
scs
__scs_entry_jumppad:
0x0: {  	(pc) =	sbr.rel $0x88, $3  }
0x1: {  	(tag) =	ssettag $0x0;
	lr =	simm.s32 $0x1  }
0x2: {  	[smem:$0x3F9F] =	sst lr;
	_ =	strace $0xD0000000  }
0x3: {  	_ = 	snop  }
0x4: {  	_ = 	snop  }
0x5: {  	_ = 	snop  }
0x6: {  	_ = 	snop  }
0x7: {  	_ = 	snop  }
__scs_overlays_trampoline_lowered:
0x8: {  	[smem:$0x3FAE] =	sst s0  }
0x9: {  	[smem:$0x3FAF] =	sst s1  }
0xa: {  	[smem:$0x3FB0] =	sst s2  }
0xb: {  	[smem:$0x3FB1] =	sst s3  }
0xc: {  	[smem:$0x3FB2] =	sst s4  }
0xd: {  	[smem:$0x3FB3] =	sst s5  }
0xe: {  	[smem:$0x3FB4] =	sst s6  }
0xf: {  	[smem:$0x3FB5] =	sst s7  }
0x10: {  	[smem:$0x3FB6] =	sst s8  }
0x11: {  	[smem:$0x3FB7] =	sst s9;
	s0 =	simm.s32 @!p0 $0x0  }
0x12: {  	s1 =	sld [smem:$0x3F9D];
	s0 =	simm.s32 @p0 $0x1  }
0x13: {  	[smem:$0x3FB8] =	sst s0;
	s0 =	simm.s32 @!p1 $0x0  }
0x14: {  	s2 =	sld [smem:$0x3F9C];
	s0 =	simm.s32 @p1 $0x1  }
0x15: {  	[smem:$0x3FB9] =	sst s0;
	s0 =	simm.s32 @!p2 $0x0  }
0x16: {  	s3 =	sld [smem:$0x3FDB];
	s0 =	simm.s32 @p2 $0x1  }
0x17: {  	s4 =	simm.s32 $0x1BF5;
	[smem:$0x3FBB] =	sst s0  }
0x18: {  	s0 =	sld [smem:$0x3F9E];
	_ =	swait.ge [sflag:s4], $0x0  }
0x19: {  	s7 =	sld [smem:$0x3F9F]  }
0x1a: {  	s8 =	sadd.s32 $0xFFFFE003, lr  }
0x1b: {  	s9 =	sadd.s32 $0xFFFFFEF7, lr;
	s5 =	simm.s32 $0xFFFFFFFF;
	p2 =	slt.u32 s8, $0xFFFFF086  }
0x1c: {  	p1 =	slt.u32 s9, $0xF7A;
	s5 =	simm.s32 @!p2 $0x0  }
0x1d: {  	s5 =	simm.s32 @p1 $0x1;
	p0 =	seq.s32 s7, s2  }
0x1e: {  	s7 =	smul.u32 @!p0 $0xF7A, s2;
	p2 =	seq.s32 @!p0 s5, $0x0  }
0x1f: {  	s9 =	smul.u32 $0xF7A, s1;
	s8 =	simm.s32 @!p0 $0x1BF5;
	p2 =	por !p2, p0  }
0x20: {  	[sflag:s8] =	ssyncset.s32 @!p0 $0xFFFFF086;
	s6 =	sadd.s32 @!p0 s3, s7;
	s7 =	simm.s32 @!p0 $0x108  }
0x21: {  	s3 =	sadd.s32 s3, s9;
	s6 =	sadd.s32 @!p0 $0x88, s6;
	s7 =	simm.s32 @p2 $0x1082  }
0x22: {  	[simem:s7], [sflag:s8] =	dma.local @!p0 [hbm:s6], $0xF7A  }
0x23: {  	s9 =	sor.u32 $0xD0000000, s2;
	s6 =	simm.s32 $0x108;
	_ =	swait.ge @!p0 [sflag:s8], $0x0  }
0x24: {  	s3 =	sadd.s32 $0x88, s3;
	s6 =	simm.s32 @!p1 $0x1082;
	[sflag:s4] =	ssyncset.s32 $0xFFFFF086  }
0x25: {  	[simem:s6], [sflag:s4] =	dma.local [hbm:s3], $0xF7A  }
0x26: {  	[smem:$0x3F9F] =	sst s1;
	(tag) =	ssettag s2;
	_ =	strace s9  }
0x27: {  	s1 =	sld [smem:$0x3FAF]  }
0x28: {  	s2 =	sld [smem:$0x3FB0]  }
0x29: {  	s4 =	sld [smem:$0x3FB2]  }
0x2a: {  	p0 =	seq.s32 s5, $0x0;
	s5 =	sld [smem:$0x3FB3]  }
0x2b: {  	s6 =	sld [smem:$0x3FB4]  }
0x2c: {  	s7 =	sld [smem:$0x3FB5]  }
0x2d: {  	s3 =	simm.s32 $0x108;
	s8 =	sld [smem:$0x3FB6]  }
0x2e: {  	s3 =	simm.s32 @!p0 $0x1082;
	s9 =	sld [smem:$0x3FB7]  }
0x2f: {  	lr =	sadd.s32 s0, s3;
	s0 =	sld [smem:$0x3FAE]  }
0x30: {  	s3 =	sld [smem:$0x3FB1]  }
0x31: {  	[smem:$0x3FBA] =	sst s10  }
0x32: {  	s10 =	sld [smem:$0x3FB8];
	_ =	sdelay $0x3  }
0x33: {  	p0 =	seq.s32 s10, $0x1;
	s10 =	sld [smem:$0x3FBA];
	_ =	sdelay $0x3  }
0x34: {  	[smem:$0x3FBA] =	sst s10  }
0x35: {  	s10 =	sld [smem:$0x3FB9];
	_ =	sdelay $0x3  }
0x36: {  	p1 =	seq.s32 s10, $0x1;
	s10 =	sld [smem:$0x3FBA];
	_ =	sdelay $0x3  }
0x37: {  	[smem:$0x3FBA] =	sst s10  }
0x38: {  	s10 =	sld [smem:$0x3FBB]  }
0x39: {  	_ = 	snop;
	(pc) =	sbr.ind lr, $3  }
0x3a: {  	_ = 	snop  }
0x3b: {  	_ = 	snop  }
0x3c: {  	p2 =	seq.s32 s10, $0x1;
	s10 =	sld [smem:$0x3FBA]  }
0x3d: {  	_ =	shalt  }
0x3e: {  	_ =	shalt  }
0x3f: {  	_ =	shalt  }
0x40: {  	_ =	shalt  }
0x41: {  	_ =	shalt  }
0x42: {  	_ =	shalt  }
0x43: {  	_ =	shalt  }
0x44: {  	_ =	shalt  }
0x45: {  	_ =	shalt  }
0x46: {  	_ =	shalt  }
0x47: {  	_ =	shalt  }
0x48: {  	_ =	shalt  }
0x49: {  	_ =	shalt  }
0x4a: {  	_ =	shalt  }
0x4b: {  	_ =	shalt  }
0x4c: {  	_ =	shalt  }
0x4d: {  	_ =	shalt  }
0x4e: {  	_ =	shalt  }
0x4f: {  	_ =	shalt  }
0x50: {  	_ =	shalt  }
0x51: {  	_ =	shalt  }
0x52: {  	_ =	shalt  }
0x53: {  	_ =	shalt  }
0x54: {  	_ =	shalt  }
0x55: {  	_ =	shalt  }
0x56: {  	_ =	shalt  }
0x57: {  	_ =	shalt  }
0x58: {  	_ =	shalt  }
0x59: {  	_ =	shalt  }
0x5a: {  	_ =	shalt  }
0x5b: {  	_ =	shalt  }
0x5c: {  	_ =	shalt  }
0x5d: {  	_ =	shalt  }
0x5e: {  	_ =	shalt  }
0x5f: {  	_ =	shalt  }
0x60: {  	_ =	shalt  }
0x61: {  	_ =	shalt  }
0x62: {  	_ =	shalt  }
0x63: {  	_ =	shalt  }
0x64: {  	_ =	shalt  }
0x65: {  	_ =	shalt  }
0x66: {  	_ =	shalt  }
0x67: {  	_ =	shalt  }
0x68: {  	_ =	shalt  }
0x69: {  	_ =	shalt  }
0x6a: {  	_ =	shalt  }
0x6b: {  	_ =	shalt  }
0x6c: {  	_ =	shalt  }
0x6d: {  	_ =	shalt  }
0x6e: {  	_ =	shalt  }
0x6f: {  	_ =	shalt  }
0x70: {  	_ =	shalt  }
0x71: {  	_ =	shalt  }
0x72: {  	_ =	shalt  }
0x73: {  	_ =	shalt  }
0x74: {  	_ =	shalt  }
0x75: {  	_ =	shalt  }
0x76: {  	_ =	shalt  }
0x77: {  	_ =	shalt  }
0x78: {  	_ =	shalt  }
0x79: {  	_ =	shalt  }
0x7a: {  	_ =	shalt  }
0x7b: {  	_ =	shalt  }
0x7c: {  	_ =	shalt  }
0x7d: {  	_ =	shalt  }
0x7e: {  	_ =	shalt  }
0x7f: {  	_ =	shalt  }
0x80: {  	_ =	shalt  }
0x81: {  	_ =	shalt  }
0x82: {  	_ =	shalt  }
0x83: {  	_ =	shalt  }
0x84: {  	_ =	shalt  }
0x85: {  	_ =	shalt  }
0x86: {  	_ =	shalt  }
0x87: {  	_ =	shalt  }
.Lfunc_end0:
.L_simem_size_0:
called_computation_lowered:
.L_overlay_start_0:
0x88: {  	s2 =	sld [smem:$0x3FD9]  }
0x89: {  	s3 =	sld [smem:$0x3FFE];
	_ =	sdelay $0x1  }
0x8a: {  	s1 =	srdreg.scid  }
0x8b: {  	s0 =	sand.u32 $0x1, s1  }
0x8c: {  	s14 =	sshll.u32 s0, $0xA;
	s2 =	sadd.s32 s3, s2  }
0x8d: {  	s2 =	sadd.s32 s2, s14  }
0x8e: {  	[smem:$0x3FC6] =	sst s2  }
0x8f: {  	_ = 	snop  }
0x90: {  	s2 =	sld [smem:$0x3FD0];
	_ =	sdelay $0x2  }
0x91: {  	s4 =	simm.s32 $0xA;
	s5 =	simm.s32 $0x10;
	s15 =	sld [smem:$0x3FC8]  }
0x92: {  	[smem:s5], [sflag:s4] =	dma.local [hbm:s2], $0x1  }
0x93: {  	_ =	swait.eq [sflag:s4], $0x1  }
0x94: {  	[sflag:s4] =	ssyncset.done $0x0  }
0x95: {  	[sflag:s4] =	ssyncadd.s32 $0xFFFFFFFF  }
0x96: {  	s16 =	sld [smem:$0x10];
	(tm) =	ssettm $0x1  }
0x97: {  	s17 =	sld [smem:$0x3FFB];
	_ =	sdelay $0x3  }
0x98: {  	_ =	strace s17  }
0x99: {  	s4 =	sld [smem:$0x3FFC];
	_ =	sdelay $0x3  }
0x9a: {  	_ =	strace s4  }
0x9b: {  	s4 =	sld [smem:$0x3FFD];
	_ =	sdelay $0x3  }
0x9c: {  	_ =	strace s4  }
0x9d: {  	_ =	strace $0x8FFFFFFF  }
0x9e: {  	s18 =	sld [smem:$0x3FDB];
	_ =	sdelay $0x1  }
0x9f: {  	s19 =	simm.s32 $_scs_section_size  }
0xa0: {  	s6 =	simm.s32 $_size__tile_overlayer_lowered;
	s7 =	simm.s32 $_tile_overlayer_lowered  }
0xa1: {  	s22 =	simm.s32 $0x1BFF;
	s21 =	sshll.u32 s7, $0x1;
	s4 =	sadd.s32 s19, s18  }
0xa2: {  	s8 =	simm.s32 $0x0;
	s20 =	sshll.u32 s6, $0x1;
	s6 =	sadd.s32 s21, s4  }
0xa3: {  	[timem:s8], [sflag:s22] =	dma.local [hbm:s6], s20  }
0xa4: {  	_ =	swait.ge [sflag:s22], s20  }
0xa5: {  	s5 =	ssub.s32 $0x0, s20;
	[sflag:s22] =	ssyncset.done $0x0  }
0xa6: {  	[sflag:s22] =	ssyncadd.s32 s5;
	_ =	sdelay $0x1  }
0xa7: {  	s23 =	simm.s32 $0x1B8B  }
0xa8: {  	_ =	swait.ge [sflag:s23], $0x1  }
0xa9: {  	[sflag:s23] =	ssyncset.done $0x0  }
0xaa: {  	s25 =	simm.s32 $0x1B8E;
	s24 =	sld [smem:$0x3FFE];
	[sflag:s23] =	ssyncadd.s32 $0xFFFFFFFF  }
0xab: {  	s26 =	simm.s32 $execute0_lowered;
	[smem:$0x3FD2] =	sst s25  }
0xac: {  	s6 =	sshll.u32 s26, $0x1;
	_ =	strace $0x80000046;
	[dreg:$0x1] =	wrdreg $0xFFFFFFFF  }
0xad: {  	s28 =	simm.s32 $_size_execute0_lowered;
	s4 =	sadd.s32 s4, s6;
	[dreg:$0x0] =	wrdreg $0x0  }
0xae: {  	s6 =	sshll.u32 s28, $0x1;
	[dreg:$0x2] =	wrdreg s4  }
0xaf: {  	[dreg:$0x3] =	wrdreg s6  }
0xb0: {  	[dreg:$0x4] =	wrdreg $0xC0  }
0xb1: {  	_ =	task [dreg:s8], $0x5FFFF  }
0xb2: {  	[dreg:$0x1] =	wrdreg $0xFFFFFFFF  }
0xb3: {  	[dreg:$0x0] =	wrdreg $0x60  }
0xb4: {  	[dreg:$0x2] =	wrdreg s15  }
0xb5: {  	[dreg:$0x3] =	wrdreg s16  }
0xb6: {  	[dreg:$0x4] =	wrdreg s24  }
0xb7: {  	[dreg:$0x5] =	wrdreg $0x9  }
0xb8: {  	_ =	task.clear_ibuf [dreg:s8], $0x6FFFF;
	_ =	strace $0x90000046  }
0xb9: {  	s29 =	simm.s32 $0x9;
	_ =	strace $0x80000048  }
0xba: {  	_ =	swait.ge [sflag:s29], $0x1  }
0xbb: {  	[sflag:s29] =	ssyncadd.s32 $0xFFFFFFFF  }
0xbc: {  	_ =	strace $0x90000048  }
0xbd: {  	_ =	sfence  }
0xbe: {  	s30 =	sld [smem:$0x0];
	_ =	sdelay $0x2  }
0xbf: {  	s31 =	sshll.u32 s1, $0xD;
	s1 =	sshrl.u32 s1, $0x2  }
0xc0: {  	s3 =	sand.u32 $0x4000, s31;
	s1 =	sadd.s32 s1, s30  }
0xc1: {  	s0 =	sor.u32 s3, s0;
	s1 =	sshll.u32 s1, $0x11  }
0xc2: {  	s0 =	sor.u32 s1, s0  }
0xc3: {  	s0 =	sadd.s32 $0x8F2B, s0  }
0xc4: {  	[sflag:s0] =	ssyncadd.remote.s32 $0x1  }
0xc5: {  	_ =	sfence.sel $0xFFFF  }
0xc6: {  	[dreg:$0x0] =	wrdreg $0xFFFFFFFF;
	(pc) =	sbr.abs _section_cstart, $3  }
0xc7: {  	[dreg:$0x1] =	wrdreg $0xFFFFFFFF  }
0xc8: {  	_ =	task.clear_ibuf [dreg:s8], $0x2FFFF;
	_ =	strace $0x9FFFFFFF  }
0xc9: {  	(tm) =	ssettm $0x7FFFFFFF  }
tec
execute0_lowered:
.L_overlay_start_1:
0x0: {  	(tag) =	ssettag $0x1  }
0x1: {  	s2 =	srdreg.scid;
	s0 =	stileid.u32  }
0x2: {  	s1 =	rddreg [dreg:$0x0];
	s17 =	sand.u32 $0x1, s2;
	s29 =	sshll.u32 s0, $0x1  }
0x3: {  	s4 =	rddreg [dreg:$0x1];
	s18 =	sor.u32 s17, s29  }
0x4: {  	s19 =	rddreg [dreg:$0x2];
	s6 =	sshll.u32 s0, $0x3;
	s5 =	sshll.u32 s18, $0x9  }
0x5: {  	s3 =	simm.s32 $0x0;
	s2 =	rddreg [dreg:$0x3];
	s5 =	sor.u32 s6, s5  }
0x6: {  	[smem:$0x7FF] =	sst s3;
	s5 =	sand.u32 $0x670, s5  }
0x7: {  	_ =	strace $0x80000047;
	s5 =	sadd.s32 s4, s5;
	s4 =	simm.s32 $0x2  }
0x8: {  	[tilespmem:s3], [sflag:$0x2] =	stream.linear.gather [hbm4b:s5+s3], $0x80, $0x38;
	[tilespmem:$0x10200] =	vst v63  }
0x9: {  	_ =	swait.ge [sflag:s4], $0x80  }
0xa: {  	[sflag:s4] =	ssyncset.done $0x0  }
0xb: {  	s7 =	simm.s32 $0x80;
	s6 =	sadd.s32 $0x80, s5;
	[sflag:s4] =	ssyncadd.s32 $0xFFFFFF80  }
0xc: {  	[tilespmem:s7], [sflag:$0x2] =	stream.linear.gather [hbm4b:s6+s3], $0x80, $0x38;
	[tilespmem:$0x10200] =	vst v63  }
0xd: {  	_ =	swait.ge [sflag:s4], $0x80  }
0xe: {  	[sflag:s4] =	ssyncset.done $0x0  }
0xf: {  	s9 =	simm.s32 $0x100;
	s8 =	sadd.s32 $0x100, s5;
	[sflag:s4] =	ssyncadd.s32 $0xFFFFFF80  }
0x10: {  	[tilespmem:s9], [sflag:$0x2] =	stream.linear.gather [hbm4b:s8+s3], $0x80, $0x38;
	[tilespmem:$0x10200] =	vst v63  }
0x11: {  	_ =	swait.ge [sflag:s4], $0x80  }
0x12: {  	[sflag:s4] =	ssyncset.done $0x0  }
0x13: {  	s11 =	simm.s32 $0x180;
	s10 =	sadd.s32 $0x180, s5;
	[sflag:s4] =	ssyncadd.s32 $0xFFFFFF80  }
0x14: {  	[tilespmem:s11], [sflag:$0x2] =	stream.linear.gather [hbm4b:s10+s3], $0x80, $0x38;
	[tilespmem:$0x10200] =	vst v63  }
0x15: {  	_ =	swait.ge [sflag:s4], $0x80  }
0x16: {  	[sflag:s4] =	ssyncset.done $0x0  }
0x17: {  	s12 =	simm.s32 $0x200;
	[sflag:s4] =	ssyncadd.s32 $0xFFFFFF80  }
0x18: {  	[tilespmem:s12], [sflag:$0x1] =	stream.indirect.gather [hbm4b:s1+s7], $0x80, s3, s7, $0xb8;
	[tilespmem:$0x10200] =	vst v63  }
0x19: {  	s13 =	simm.s32 $0x4200  }
0x1a: {  	[tilespmem:s13], [sflag:$0x1] =	stream.indirect.gather [hbm4b:s1+s7], $0x80, s7, s7, $0xb8;
	[tilespmem:$0x10200] =	vst v63  }
0x1b: {  	s14 =	simm.s32 $0x8200  }
0x1c: {  	[tilespmem:s14], [sflag:$0x1] =	stream.indirect.gather [hbm4b:s1+s7], $0x80, s9, s7, $0xb8;
	[tilespmem:$0x10200] =	vst v63  }
0x1d: {  	s15 =	simm.s32 $0xC200;
	s16 =	simm.s32 $0x1  }
0x1e: {  	[tilespmem:s15], [sflag:$0x1] =	stream.indirect.gather [hbm4b:s1+s7], $0x80, s11, s7, $0xb8;
	[tilespmem:$0x10200] =	vst v63  }
0x1f: {  	_ =	swait.ge [sflag:s16], $0x4000  }
0x20: {  	[sflag:s16] =	ssyncset.done $0x0  }
0x21: {  	[sflag:s16] =	ssyncadd.s32 $0xFFFFC000  }
0x22: {  	_ =	swait.ge [sflag:s16], $0x4000  }
0x23: {  	[sflag:s16] =	ssyncset.done $0x0  }
0x24: {  	s17 =	ssub.s32 $0x2, s17;
	[sflag:s16] =	ssyncadd.s32 $0xFFFFC000  }
0x25: {  	s20 =	sshrl.u32 s17, $0x1;
	_ =	swait.ge [sflag:s16], $0x4000  }
0x26: {  	s20 =	ssub.s32 s17, s20;
	[sflag:s16] =	ssyncset.done $0x0  }
0x27: {  	s31 =	smax.u32 s20, $0x1;
	[sflag:s16] =	ssyncadd.s32 $0xFFFFC000  }
0x28: {  	p0 =	sne.s32 s31, $0x1;
	_ =	swait.ge [sflag:s16], $0x4000  }
.Ltmp0:
0x29: {  	s30 =	sshll.u32 s18, $0xD;
	[sflag:s16] =	ssyncset.done $0x0;
	(pc) =	sbr.rel @!p0 .LBB2_2-.Ltmp0, $4  }
0x2a: {  	s17 =	sadd.s32 s19, s30;
	[sflag:s16] =	ssyncadd.s32 $0xFFFFC000  }
0x2b: {  	[hbm4b:s17+s3] =	stream.linear.scatter [tilespmem:s12], [sflag:$0x2], $0x10000, $0x38;
	[tilespmem:$0x10200] =	vst v63  }
0x2c: {  	_ =	swait.ge [sflag:s4], $0x10000  }
0x2d: {  	s18 =	sadd.s32 $0xFFFFFFFF, s31;
	[sflag:s4] =	ssyncset.done $0x0  }
.LBB2_1:
0x2e: {  	p0 =	sne.s32 s18, $0x1;
	s18 =	sadd.s32 $0xFFFFFFFF, s18;
	[sflag:s4] =	ssyncadd.s32 $0xFFFF0000  }
0x2f: {  	[tilespmem:s3], [sflag:$0x2] =	stream.linear.gather [hbm4b:s5+s3], $0x80, $0x38;
	[tilespmem:$0x10200] =	vst v63  }
0x30: {  	_ =	swait.ge [sflag:s4], $0x80  }
0x31: {  	[sflag:s4] =	ssyncset.done $0x0  }
0x32: {  	[sflag:s4] =	ssyncadd.s32 $0xFFFFFF80  }
0x33: {  	[tilespmem:s7], [sflag:$0x2] =	stream.linear.gather [hbm4b:s6+s3], $0x80, $0x38;
	[tilespmem:$0x10200] =	vst v63  }
0x34: {  	_ =	swait.ge [sflag:s4], $0x80  }
0x35: {  	[sflag:s4] =	ssyncset.done $0x0  }
0x36: {  	[sflag:s4] =	ssyncadd.s32 $0xFFFFFF80  }
0x37: {  	[tilespmem:s9], [sflag:$0x2] =	stream.linear.gather [hbm4b:s8+s3], $0x80, $0x38;
	[tilespmem:$0x10200] =	vst v63  }
0x38: {  	_ =	swait.ge [sflag:s4], $0x80  }
0x39: {  	[sflag:s4] =	ssyncset.done $0x0  }
0x3a: {  	[sflag:s4] =	ssyncadd.s32 $0xFFFFFF80  }
0x3b: {  	[tilespmem:s11], [sflag:$0x2] =	stream.linear.gather [hbm4b:s10+s3], $0x80, $0x38;
	[tilespmem:$0x10200] =	vst v63  }
0x3c: {  	_ =	swait.ge [sflag:s4], $0x80  }
0x3d: {  	[sflag:s4] =	ssyncset.done $0x0  }
0x3e: {  	[sflag:s4] =	ssyncadd.s32 $0xFFFFFF80  }
0x3f: {  	[tilespmem:s12], [sflag:$0x1] =	stream.indirect.gather [hbm4b:s1+s7], $0x80, s3, s7, $0xb8;
	[tilespmem:$0x10200] =	vst v63  }
0x40: {  	_ = 	snop  }
0x41: {  	[tilespmem:s13], [sflag:$0x1] =	stream.indirect.gather [hbm4b:s1+s7], $0x80, s7, s7, $0xb8;
	[tilespmem:$0x10200] =	vst v63  }
0x42: {  	_ = 	snop  }
0x43: {  	[tilespmem:s14], [sflag:$0x1] =	stream.indirect.gather [hbm4b:s1+s7], $0x80, s9, s7, $0xb8;
	[tilespmem:$0x10200] =	vst v63  }
0x44: {  	_ = 	snop  }
0x45: {  	[tilespmem:s15], [sflag:$0x1] =	stream.indirect.gather [hbm4b:s1+s7], $0x80, s11, s7, $0xb8;
	[tilespmem:$0x10200] =	vst v63  }
0x46: {  	_ =	swait.ge [sflag:s16], $0x4000  }
0x47: {  	[sflag:s16] =	ssyncset.done $0x0  }
0x48: {  	[sflag:s16] =	ssyncadd.s32 $0xFFFFC000  }
0x49: {  	_ =	swait.ge [sflag:s16], $0x4000  }
0x4a: {  	[sflag:s16] =	ssyncset.done $0x0  }
0x4b: {  	[sflag:s16] =	ssyncadd.s32 $0xFFFFC000  }
0x4c: {  	_ =	swait.ge [sflag:s16], $0x4000  }
0x4d: {  	[sflag:s16] =	ssyncset.done $0x0  }
0x4e: {  	[sflag:s16] =	ssyncadd.s32 $0xFFFFC000  }
0x4f: {  	_ =	swait.ge [sflag:s16], $0x4000  }
.Ltmp1:
0x50: {  	[sflag:s16] =	ssyncset.done $0x0;
	(pc) =	sbr.rel @p0 .LBB2_1-.Ltmp1, $4  }
0x51: {  	[sflag:s16] =	ssyncadd.s32 $0xFFFFC000  }
0x52: {  	[hbm4b:s17+s3] =	stream.linear.scatter [tilespmem:s12], [sflag:$0x2], $0x10000, $0x38;
	[tilespmem:$0x10200] =	vst v63  }
0x53: {  	_ =	swait.ge [sflag:s4], $0x10000  }
0x54: {  	[sflag:s4] =	ssyncset.done $0x0  }
.LBB2_2:
0x55: {  	[sflag:s4] =	ssyncadd.s32 $0xFFFF0000  }
0x56: {  	_ =	sfence.sel $0x180000  }
0x57: {  	[bflag:$0x0] =	sbarrier.arrive $0xFFFF  }
0x58: {  	p0 =	sne.s32 s0, $0x0;
	_ =	strace $0x90000047  }
0x59: {  	s0 =	sadd.s32 @!p0 $0x100000, s2;
	[bflag:$0x2] =	sbarrier.arrive $0xFFFF  }
0x5a: {  	[sflag:s0] =	ssyncadd.tile.s32 @!p0 $0x1;
	_ =	shalt  }
.Lfunc_end2:
_tile_overlayer_lowered:
.L_overlay_start_2:
0x5b: {  	(tag) =	ssettag $0x2  }
0x5c: {  	s0 =	rddreg [dreg:$0x0];
	s2 =	stileid.u32  }
0x5d: {  	s1 =	rddreg [dreg:$0x1];
	p0 =	sne.s32 s2, $0x0  }
0x5e: {  	s3 =	rddreg [dreg:$0x2];
	[bflag:$0x3] =	sbarrier.arrive $0xFFFF;
	s2 =	simm.s32 @!p0 $0x1C02  }
0x5f: {  	[timem:s3], [sflag:s2] =	dma.local @!p0 [hbm:s0], s1  }
0x60: {  	s0 =	simm.s32 @!p0 $0x2  }
0x61: {  	_ =	swait.ge @!p0 [sflag:s0], s1  }
0x62: {  	s1 =	ssub.s32 @!p0 $0x0, s1;
	[sflag:s0] =	ssyncset.done @!p0 $0x0  }
0x63: {  	[sflag:s0] =	ssyncadd.s32 @!p0 s1  }
0x64: {  	[bflag:$0x3] =	sbarrier.arrive $0xFFFF  }
0x65: {  	_ =	shalt  }

</sc_bundles>
